<compile_context>
chip_gen: v7x
topology: tpu7x:2x2x1
jax: 0.10.2.dev20260603
libtpu: 0.0.44.dev20260713+nightly
codegen_flags: <defaults>
</compile_context>

<pallas_src>
import dataclasses
import functools

import jax
import jax.numpy as jnp
from jax import lax
from jax.experimental import pallas as pl
from jax.experimental.pallas import tpu as pltpu
from jax.experimental.pallas import tpu_sc as plsc

N = 10000
N_PAD = 10240
D = 128
E = 320000
NUM_USERS = 9500
NUM_MODELS = 100
NUM_SERVERS = 400

CHUNK = 64
CPW = 314
IDXR = 158
E_PAD = 16 * CPW * CHUNK
HALF = N_PAD // 2
ACC_ROWS = HALF
OUT_PER_SUB = HALF // 16
NROWS = N_PAD // 128


def _tc_layer_body(acc_ref, d0_ref, d1_ref, b_ref, flag_ref, w_ref, al_ref,
                   ar_ref, h_ref, el_ref, er_ref):
    den = d0_ref[...] + d1_ref[...] + 1e-10
    xin = acc_ref[...] / den + b_ref[0, :]
    xin = jnp.where(flag_ref[0, :] > 0.0, jnp.maximum(xin, 0.0), xin)
    h = jnp.dot(xin, w_ref[...], preferred_element_type=jnp.float32, precision=lax.Precision.HIGHEST)
    h_ref[...] = h
    el_ref[0, 0, :] = jnp.dot(h, al_ref[0, :], preferred_element_type=jnp.float32, precision=lax.Precision.HIGHEST)
    er_ref[0, 0, :] = jnp.dot(h, ar_ref[0, :], preferred_element_type=jnp.float32, precision=lax.Precision.HIGHEST)


_BLK = 128
_GRID = N_PAD // _BLK

_h_spec = pl.BlockSpec((_BLK, D), lambda i: (i, 0))
_vec_out_spec = pl.BlockSpec((1, 1, _BLK), lambda i: (i, 0, 0))
_w_spec = pl.BlockSpec((D, D), lambda i: (0, 0))
_a_spec = pl.BlockSpec((1, D), lambda i: (0, 0))
_den_spec = pl.BlockSpec((_BLK, 1), lambda i: (i, 0))

_layer_out_shapes = (
    jax.ShapeDtypeStruct((N_PAD, D), jnp.float32),
    jax.ShapeDtypeStruct((_GRID, 1, _BLK), jnp.float32),
    jax.ShapeDtypeStruct((_GRID, 1, _BLK), jnp.float32),
)
_layer_out_specs = (_h_spec, _vec_out_spec, _vec_out_spec)


def _tc_layer(acc, d0, d1, b, flag, W, al, ar):
    return pl.pallas_call(
        _tc_layer_body,
        grid=(_GRID,),
        in_specs=[_h_spec, _den_spec, _den_spec, _a_spec, _a_spec, _w_spec,
                  _a_spec, _a_spec],
        out_specs=_layer_out_specs,
        out_shape=_layer_out_shapes,
    )(acc, d0, d1, b.reshape(1, D), flag.reshape(1, D), W,
      al.reshape(1, D), ar.reshape(1, D))


def _tc_final_body(acc_ref, d0_ref, d1_ref, b_ref, wb_ref, bb_ref, out_ref):
    den = d0_ref[...] + d1_ref[...] + 1e-10
    emb = acc_ref[...] / den + b_ref[0, :]
    m = emb[:NUM_MODELS]
    s = emb[NUM_MODELS:]
    proj = jnp.dot(m, wb_ref[...], preferred_element_type=jnp.float32, precision=lax.Precision.HIGHEST)
    scores = lax.dot_general(proj, s, (((1,), (1,)), ((), ())),
                             preferred_element_type=jnp.float32, precision=lax.Precision.HIGHEST)
    out_ref[...] = scores + bb_ref[0, 0]


def _tc_final(accs, d0s, d1s, b3, Wb, bb):
    return pl.pallas_call(
        _tc_final_body,
        out_shape=jax.ShapeDtypeStruct((NUM_MODELS, NUM_SERVERS), jnp.float32),
    )(accs, d0s, d1s, b3.reshape(1, D), Wb, bb.reshape(1, 1))


def _sc_compiler_params():
    cp = pltpu.CompilerParams()
    if "needs_layout_passes" in pltpu.CompilerParams.__dataclass_fields__:
        cp = dataclasses.replace(cp, needs_layout_passes=False)
    return cp


def _split_idx(i16):
    return [lax.shift_right_logical(i16, 7), lax.bitwise_and(i16, 127)]


def _sc_edge_pass(h, el, er, dst3, src3, rvec, zrows):
    mesh = plsc.VectorSubcoreMesh(core_axis_name="c", subcore_axis_name="s")

    @functools.partial(
        pl.kernel,
        out_type=(
            jax.ShapeDtypeStruct((2, HALF, D), jnp.float32),
            jax.ShapeDtypeStruct((2, 16, NROWS, 128), jnp.float32),
        ),
        mesh=mesh,
        compiler_params=_sc_compiler_params(),
        scratch_types=[
            pltpu.VMEM((NROWS, 128), jnp.float32),
            pltpu.VMEM((NROWS, 128), jnp.float32),
            pltpu.VMEM((IDXR, 128), jnp.int32),
            pltpu.VMEM((IDXR, 128), jnp.int32),
            pltpu.VMEM((2 * CHUNK,), jnp.int32),
            pltpu.VMEM((2 * CHUNK, D), jnp.float32),
            pltpu.VMEM((CHUNK,), jnp.float32),
            pltpu.VMEM((16,), jnp.float32),
            pltpu.VMEM((NROWS, 128), jnp.float32),
            pltpu.VMEM_SHARED((ACC_ROWS, D), jnp.float32),
            pltpu.SemaphoreType.DMA((2,)),
            pltpu.SemaphoreType.DMA((2,)),
        ],
    )
    def sc_kernel(h_hbm, el_hbm, er_hbm, dst_hbm, src_hbm, r_hbm, zr_hbm,
                  out_hbm, den_hbm, el_v, er_v, dst_v, src_v,
                  dloc_v, rows_v, p_v, r_v, den_v, acc_sh, gsem, ssem):
        c = lax.axis_index("c")
        s = lax.axis_index("s")

        pltpu.sync_copy(el_hbm, el_v)
        pltpu.sync_copy(er_hbm, er_v)
        pltpu.sync_copy(dst_hbm.at[s], dst_v)
        pltpu.sync_copy(src_hbm.at[s], src_v)
        pltpu.sync_copy(r_hbm, r_v)
        pltpu.sync_copy(zr_hbm.at[pl.ds(0, NROWS)], den_v)
        pltpu.sync_copy(zr_hbm, acc_sh.at[pl.ds(s * OUT_PER_SUB, OUT_PER_SUB)])

        plsc.subcore_barrier()

        rv = r_v[...]
        base = c * HALF

        pltpu.async_copy(h_hbm.at[src_v.at[0].at[pl.ds(0, CHUNK)]],
                         rows_v.at[pl.ds(0, CHUNK)], gsem.at[0])

        @pl.loop(0, CPW)
        def _chunk(j):
            jr = j >> 1
            off = (j & 1) * CHUNK
            jr2 = (j + 1) >> 1
            noff = CHUNK - off

            @pl.loop(0, CHUNK // 16)
            def _pblk(k):
                d16 = dst_v[jr, pl.ds(off + k * 16, 16)]
                s16 = src_v[jr, pl.ds(off + k * 16, 16)]
                a16 = plsc.load_gather(el_v, _split_idx(d16))
                z = a16 + plsc.load_gather(er_v, _split_idx(s16))
                z = jnp.maximum(z, 0.2 * z)
                t16 = a16 + rv
                sh16 = jnp.maximum(jnp.maximum(t16, 0.2 * t16), 0.0)
                dl = d16 - base
                valid = jnp.logical_and(dl >= 0, dl < HALF)
                p16 = jnp.where(valid, jnp.exp(z - sh16), 0.0)
                p_v[pl.ds(k * 16, 16)] = p16
                dloc_v[pl.ds(off + k * 16, 16)] = jnp.where(valid, dl, 0)
                plsc.addupdate_scatter(den_v, _split_idx(d16), p16)

            pltpu.make_async_copy(h_hbm.at[src_v.at[jr].at[pl.ds(off, CHUNK)]],
                                  rows_v.at[pl.ds(off, CHUNK)],
                                  gsem.at[j & 1]).wait()

            @pl.when(j > 0)
            def _drain_scatter():
                pltpu.make_async_copy(rows_v.at[pl.ds(noff, CHUNK)],
                                      acc_sh.at[dloc_v.at[pl.ds(noff, CHUNK)]],
                                      ssem.at[(j + 1) & 1]).wait()

            pltpu.async_copy(h_hbm.at[src_v.at[jr2].at[pl.ds(noff, CHUNK)]],
                             rows_v.at[pl.ds(noff, CHUNK)],
                             gsem.at[(j + 1) & 1])

            @pl.loop(0, CHUNK)
            def _row(r):
                pr = plsc.load_gather(p_v, [jnp.full((16,), r, jnp.int32)])
                for kk in range(D // 16):
                    rows_v[off + r, pl.ds(kk * 16, 16)] = (
                        rows_v[off + r, pl.ds(kk * 16, 16)] * pr)

            pltpu.async_copy(rows_v.at[pl.ds(off, CHUNK)],
                             acc_sh.at[dloc_v.at[pl.ds(off, CHUNK)]],
                             ssem.at[j & 1], add=True)

        pltpu.make_async_copy(
            h_hbm.at[src_v.at[CPW >> 1].at[pl.ds(0, CHUNK)]],
            rows_v.at[pl.ds(0, CHUNK)], gsem.at[CPW & 1]).wait()
        pltpu.make_async_copy(rows_v.at[pl.ds(CHUNK, CHUNK)],
                              acc_sh.at[dloc_v.at[pl.ds(CHUNK, CHUNK)]],
                              ssem.at[1]).wait()

        pltpu.sync_copy(den_v, den_hbm.at[c].at[s])

        plsc.subcore_barrier()
        sl = pl.ds(s * OUT_PER_SUB, OUT_PER_SUB)
        pltpu.sync_copy(acc_sh.at[sl], out_hbm.at[c].at[sl])

    return sc_kernel(h, el, er, dst3, src3, rvec, zrows)





def kernel(x, edge_index, W1, al1, ar1, b1, W2, al2, ar2, b2, W3, al3, ar3,
           b3, Wb, bb):
    src = edge_index[0]
    dst = edge_index[1]
    srcp = jnp.concatenate(
        [src, jnp.zeros((E_PAD - E,), jnp.int32)]).reshape(16, IDXR - 1, 128)
    srcp = jnp.pad(srcp, ((0, 0), (0, 1), (0, 0)))
    dstp = jnp.concatenate(
        [dst, jnp.full((E_PAD - E,), N, jnp.int32)]).reshape(16, IDXR - 1, 128)
    dstp = jnp.pad(dstp, ((0, 0), (0, 1), (0, 0)), constant_values=N)
    zrows = jnp.zeros((OUT_PER_SUB, D), jnp.float32)
    xp = jnp.pad(x, ((0, N_PAD - N), (0, 0)))

    def sc_pass(H, EL, ER):
        rvec = jnp.full((16,), jnp.max(ER), jnp.float32)
        P, DEN = _sc_edge_pass(H, EL.reshape(NROWS, 128), ER.reshape(NROWS, 128),
                               dstp, srcp, rvec, zrows)
        return P.reshape(N_PAD, D), DEN.sum(axis=1).reshape(2, N_PAD, 1)

    Ws = jnp.stack([W1, W2, W3])
    als = jnp.stack([al1, al2, al3])
    ars = jnp.stack([ar1, ar2, ar3])
    bs = jnp.stack([jnp.zeros_like(b1), b1, b2])
    flags = jnp.stack([jnp.zeros((D,), jnp.float32),
                       jnp.ones((D,), jnp.float32),
                       jnp.ones((D,), jnp.float32)])

    def body(carry, xs):
        ACC, D0, D1 = carry
        W, al, ar, b, flag = xs
        H, EL, ER = _tc_layer(ACC, D0, D1, b, flag, W, al, ar)
        ACC, DEN = sc_pass(H, EL, ER)
        return (ACC, DEN[0], DEN[1]), None

    init = (xp, jnp.ones((N_PAD, 1), jnp.float32),
            jnp.zeros((N_PAD, 1), jnp.float32))
    (ACC, D0, D1), _ = lax.scan(body, init, (Ws, als, ars, bs, flags))

    lo, hi = NUM_USERS, NUM_USERS + NUM_MODELS + NUM_SERVERS
    return _tc_final(ACC[lo:hi], D0[lo:hi], D1[lo:hi], b3, Wb, bb)

# --- scband reference (transcript-rebuilt; emitter-appended) ---
"""Pipeline reference for scband-gat-placement-82978768158888 (READ-ONLY COPY).

The authoritative reference and input builder live on the scoring server;
editing this copy changes nothing except your own understanding.
"""

import jax, jax.numpy as jnp
import numpy as np

N = 10000
E = 320000
IN_CH = 128
N_HID = 128
NUM_USERS = 9500
NUM_MODELS = 100
NUM_SERVERS = 400


def _gat_conv(x, edge_index, W, a_l, a_r, bias):
    n = x.shape[0]
    h = x @ W
    src = edge_index[0]
    dst = edge_index[1]
    e_l = h @ a_l
    e_r = h @ a_r
    edge_attn = jax.nn.leaky_relu(e_l[dst] + e_r[src], negative_slope=0.2)
    edge_max = jax.ops.segment_max(edge_attn, dst, num_segments=n)
    edge_attn = jnp.exp(edge_attn - edge_max[dst])
    edge_sum = jax.ops.segment_sum(edge_attn, dst, num_segments=n)
    edge_attn = edge_attn / (edge_sum[dst] + 1e-10)
    messages = h[src] * edge_attn[:, None]
    out = jax.ops.segment_sum(messages, dst, num_segments=n)
    return out + bias


def _forward(x, edge_index, W1, al1, ar1, b1, W2, al2, ar2, b2, W3, al3, ar3, b3, Wb, bb):
    h = jax.nn.relu(_gat_conv(x, edge_index, W1, al1, ar1, b1))
    h = jax.nn.relu(_gat_conv(h, edge_index, W2, al2, ar2, b2))
    h = _gat_conv(h, edge_index, W3, al3, ar3, b3)
    m_emb = h[NUM_USERS:NUM_USERS + NUM_MODELS]
    s_emb = h[NUM_USERS + NUM_MODELS:NUM_USERS + NUM_MODELS + NUM_SERVERS]
    m_exp = jnp.broadcast_to(m_emb[:, None, :], (NUM_MODELS, NUM_SERVERS, N_HID)).reshape(-1, N_HID)
    s_exp = jnp.broadcast_to(s_emb[None, :, :], (NUM_MODELS, NUM_SERVERS, N_HID)).reshape(-1, N_HID)
    scores = jnp.sum((m_exp @ Wb) * s_exp, axis=-1) + bb[0]
    return scores.reshape(NUM_MODELS, NUM_SERVERS)


def setup_inputs(seed: int = 0) -> dict:
    key = jax.random.key(seed)
    ks = jax.random.split(key, 16)
    s = 0.05
    return {
        "x": jax.random.normal(ks[0], (N, IN_CH), dtype=jnp.float32),
        "edge_index": jax.random.randint(ks[1], (2, E), 0, N, dtype=jnp.int32),
        "W1": jax.random.normal(ks[2], (IN_CH, N_HID), dtype=jnp.float32) * s,
        "al1": jax.random.normal(ks[3], (N_HID,), dtype=jnp.float32) * s,
        "ar1": jax.random.normal(ks[4], (N_HID,), dtype=jnp.float32) * s,
        "b1": jnp.zeros((N_HID,), dtype=jnp.float32),
        "W2": jax.random.normal(ks[5], (N_HID, N_HID), dtype=jnp.float32) * s,
        "al2": jax.random.normal(ks[6], (N_HID,), dtype=jnp.float32) * s,
        "ar2": jax.random.normal(ks[7], (N_HID,), dtype=jnp.float32) * s,
        "b2": jnp.zeros((N_HID,), dtype=jnp.float32),
        "W3": jax.random.normal(ks[8], (N_HID, N_HID), dtype=jnp.float32) * s,
        "al3": jax.random.normal(ks[9], (N_HID,), dtype=jnp.float32) * s,
        "ar3": jax.random.normal(ks[10], (N_HID,), dtype=jnp.float32) * s,
        "b3": jnp.zeros((N_HID,), dtype=jnp.float32),
        "Wb": jax.random.normal(ks[11], (N_HID, N_HID), dtype=jnp.float32) * s,
        "bb": jnp.zeros((1,), dtype=jnp.float32),
    }


def reference(x, edge_index, W1, al1, ar1, b1, W2, al2, ar2, b2, W3, al3, ar3, b3, Wb, bb):
    return _forward(x, edge_index, W1, al1, ar1, b1, W2, al2, ar2, b2, W3, al3, ar3, b3, Wb, bb)

if __name__ == "__main__":
    import jax
    _d = setup_inputs()
    print(jax.jit(kernel)(*tuple(_d.values())))

</pallas_src>

<mosaic_0001>
#map = affine_map<(d0, d1) -> (0, 0)>
#map1 = affine_map<(d0, d1) -> (0, 0, 0)>
#map2 = affine_map<(d0, d1) -> (0)>
#map3 = affine_map<(d0, d1) -> (0, 0, 0, 0)>
module attributes {stable_mosaic.version = 14 : i64} {
  func.func @sc_kernel(%arg0: i32, %arg1: i32, %arg2: memref<10240x128xf32, #tpu.memory_space<hbm>>, %arg3: memref<80x128xf32, #tpu.memory_space<hbm>>, %arg4: memref<80x128xf32, #tpu.memory_space<hbm>>, %arg5: memref<16x158x128xi32, #tpu.memory_space<hbm>>, %arg6: memref<16x158x128xi32, #tpu.memory_space<hbm>>, %arg7: memref<16xf32, #tpu.memory_space<hbm>>, %arg8: memref<320x128xf32, #tpu.memory_space<hbm>>, %arg9: memref<2x5120x128xf32, #tpu.memory_space<hbm>>, %arg10: memref<2x16x80x128xf32, #tpu.memory_space<hbm>>, %arg11: memref<80x128xf32, #tpu.memory_space<vmem>>, %arg12: memref<80x128xf32, #tpu.memory_space<vmem>>, %arg13: memref<158x128xi32, #tpu.memory_space<vmem>>, %arg14: memref<158x128xi32, #tpu.memory_space<vmem>>, %arg15: memref<128xi32, #tpu.memory_space<vmem>>, %arg16: memref<128x128xf32, #tpu.memory_space<vmem>>, %arg17: memref<64xf32, #tpu.memory_space<vmem>>, %arg18: memref<16xf32, #tpu.memory_space<vmem>>, %arg19: memref<80x128xf32, #tpu.memory_space<vmem>>, %arg20: memref<5120x128xf32, #tpu.memory_space<vmem_shared>>, %arg21: memref<2x!tpu.dma_semaphore, #tpu.memory_space<semaphore_mem>>, %arg22: memref<2x!tpu.dma_semaphore, #tpu.memory_space<semaphore_mem>>) attributes {dimension_semantics = [#tpu.dimension_semantics<core_parallel>, #tpu.dimension_semantics<subcore_parallel>], iteration_bounds = array<i64: 2, 16>, scalar_prefetch = 0 : i64, scratch_operands = 12 : i64, tpu.core_type = #tpu.core_type<sc_vector_subcore>, window_params = [{transform_indices = #map}, {transform_indices = #map}, {transform_indices = #map}, {transform_indices = #map1}, {transform_indices = #map1}, {transform_indices = #map2}, {transform_indices = #map}, {transform_indices = #map1}, {transform_indices = #map3}]} {
    "tpu.region"() ({
      %run_scoped3A = tpu.sem_alloc : memref<!tpu.dma_semaphore, #tpu.memory_space<semaphore_mem>>
      tpu.enqueue_dma source(%arg3 : memref<80x128xf32, #tpu.memory_space<hbm>>) target(%arg11 : memref<80x128xf32, #tpu.memory_space<vmem>>) target_semaphore(%run_scoped3A : memref<!tpu.dma_semaphore, #tpu.memory_space<semaphore_mem>>)
      tpu.wait_dma2 semaphore(%run_scoped3A : memref<!tpu.dma_semaphore, #tpu.memory_space<semaphore_mem>>) src(%arg3 : memref<80x128xf32, #tpu.memory_space<hbm>>) dst(%arg11 : memref<80x128xf32, #tpu.memory_space<vmem>>)
      tpu.yield
    }) : () -> ()
    "tpu.region"() ({
      %run_scoped3A = tpu.sem_alloc : memref<!tpu.dma_semaphore, #tpu.memory_space<semaphore_mem>>
      tpu.enqueue_dma source(%arg4 : memref<80x128xf32, #tpu.memory_space<hbm>>) target(%arg12 : memref<80x128xf32, #tpu.memory_space<vmem>>) target_semaphore(%run_scoped3A : memref<!tpu.dma_semaphore, #tpu.memory_space<semaphore_mem>>)
      tpu.wait_dma2 semaphore(%run_scoped3A : memref<!tpu.dma_semaphore, #tpu.memory_space<semaphore_mem>>) src(%arg4 : memref<80x128xf32, #tpu.memory_space<hbm>>) dst(%arg12 : memref<80x128xf32, #tpu.memory_space<vmem>>)
      tpu.yield
    }) : () -> ()
    "tpu.region"() ({
      %run_scoped3A = tpu.sem_alloc : memref<!tpu.dma_semaphore, #tpu.memory_space<semaphore_mem>>
      %dma_start3A_50 = arith.constant 0 : i32
      %dma_start3A_51 = arith.constant 0 : i32
      %dma_start3A_52 = tpu.memref_slice %arg5[%arg1, %dma_start3A_50, %dma_start3A_51] : memref<16x158x128xi32, #tpu.memory_space<hbm>> -> memref<1x158x128xi32, #tpu.memory_space<hbm>>
      %dma_start3A_53 = tpu.memref_squeeze %dma_start3A_52 : memref<1x158x128xi32, #tpu.memory_space<hbm>> -> memref<158x128xi32, #tpu.memory_space<hbm>>
      %dma_start3A_54 = arith.constant 0 : i32
      %dma_start3A_55 = arith.constant 0 : i32
      %dma_start3A_56 = tpu.memref_slice %arg5[%arg1, %dma_start3A_54, %dma_start3A_55] : memref<16x158x128xi32, #tpu.memory_space<hbm>> -> memref<1x158x128xi32, #tpu.memory_space<hbm>>
      %dma_start3A_57 = tpu.memref_squeeze %dma_start3A_56 : memref<1x158x128xi32, #tpu.memory_space<hbm>> -> memref<158x128xi32, #tpu.memory_space<hbm>>
      tpu.enqueue_dma source(%dma_start3A_57 : memref<158x128xi32, #tpu.memory_space<hbm>>) target(%arg13 : memref<158x128xi32, #tpu.memory_space<vmem>>) target_semaphore(%run_scoped3A : memref<!tpu.dma_semaphore, #tpu.memory_space<semaphore_mem>>)
      %dma_wait3A_58 = arith.constant 0 : i32
      %dma_wait3A_59 = arith.constant 0 : i32
      %dma_wait3A_60 = tpu.memref_slice %arg5[%arg1, %dma_wait3A_58, %dma_wait3A_59] : memref<16x158x128xi32, #tpu.memory_space<hbm>> -> memref<1x158x128xi32, #tpu.memory_space<hbm>>
      %dma_wait3A_61 = tpu.memref_squeeze %dma_wait3A_60 : memref<1x158x128xi32, #tpu.memory_space<hbm>> -> memref<158x128xi32, #tpu.memory_space<hbm>>
      %dma_wait3A_62 = arith.constant 0 : i32
      %dma_wait3A_63 = arith.constant 0 : i32
      %dma_wait3A_64 = tpu.memref_slice %arg5[%arg1, %dma_wait3A_62, %dma_wait3A_63] : memref<16x158x128xi32, #tpu.memory_space<hbm>> -> memref<1x158x128xi32, #tpu.memory_space<hbm>>
      %dma_wait3A_65 = tpu.memref_squeeze %dma_wait3A_64 : memref<1x158x128xi32, #tpu.memory_space<hbm>> -> memref<158x128xi32, #tpu.memory_space<hbm>>
      tpu.wait_dma2 semaphore(%run_scoped3A : memref<!tpu.dma_semaphore, #tpu.memory_space<semaphore_mem>>) src(%dma_wait3A_65 : memref<158x128xi32, #tpu.memory_space<hbm>>) dst(%arg13 : memref<158x128xi32, #tpu.memory_space<vmem>>)
      tpu.yield
    }) : () -> ()
    "tpu.region"() ({
      %run_scoped3A = tpu.sem_alloc : memref<!tpu.dma_semaphore, #tpu.memory_space<semaphore_mem>>
      %dma_start3A_50 = arith.constant 0 : i32
      %dma_start3A_51 = arith.constant 0 : i32
      %dma_start3A_52 = tpu.memref_slice %arg6[%arg1, %dma_start3A_50, %dma_start3A_51] : memref<16x158x128xi32, #tpu.memory_space<hbm>> -> memref<1x158x128xi32, #tpu.memory_space<hbm>>
      %dma_start3A_53 = tpu.memref_squeeze %dma_start3A_52 : memref<1x158x128xi32, #tpu.memory_space<hbm>> -> memref<158x128xi32, #tpu.memory_space<hbm>>
      %dma_start3A_54 = arith.constant 0 : i32
      %dma_start3A_55 = arith.constant 0 : i32
      %dma_start3A_56 = tpu.memref_slice %arg6[%arg1, %dma_start3A_54, %dma_start3A_55] : memref<16x158x128xi32, #tpu.memory_space<hbm>> -> memref<1x158x128xi32, #tpu.memory_space<hbm>>
      %dma_start3A_57 = tpu.memref_squeeze %dma_start3A_56 : memref<1x158x128xi32, #tpu.memory_space<hbm>> -> memref<158x128xi32, #tpu.memory_space<hbm>>
      tpu.enqueue_dma source(%dma_start3A_57 : memref<158x128xi32, #tpu.memory_space<hbm>>) target(%arg14 : memref<158x128xi32, #tpu.memory_space<vmem>>) target_semaphore(%run_scoped3A : memref<!tpu.dma_semaphore, #tpu.memory_space<semaphore_mem>>)
      %dma_wait3A_58 = arith.constant 0 : i32
      %dma_wait3A_59 = arith.constant 0 : i32
      %dma_wait3A_60 = tpu.memref_slice %arg6[%arg1, %dma_wait3A_58, %dma_wait3A_59] : memref<16x158x128xi32, #tpu.memory_space<hbm>> -> memref<1x158x128xi32, #tpu.memory_space<hbm>>
      %dma_wait3A_61 = tpu.memref_squeeze %dma_wait3A_60 : memref<1x158x128xi32, #tpu.memory_space<hbm>> -> memref<158x128xi32, #tpu.memory_space<hbm>>
      %dma_wait3A_62 = arith.constant 0 : i32
      %dma_wait3A_63 = arith.constant 0 : i32
      %dma_wait3A_64 = tpu.memref_slice %arg6[%arg1, %dma_wait3A_62, %dma_wait3A_63] : memref<16x158x128xi32, #tpu.memory_space<hbm>> -> memref<1x158x128xi32, #tpu.memory_space<hbm>>
      %dma_wait3A_65 = tpu.memref_squeeze %dma_wait3A_64 : memref<1x158x128xi32, #tpu.memory_space<hbm>> -> memref<158x128xi32, #tpu.memory_space<hbm>>
      tpu.wait_dma2 semaphore(%run_scoped3A : memref<!tpu.dma_semaphore, #tpu.memory_space<semaphore_mem>>) src(%dma_wait3A_65 : memref<158x128xi32, #tpu.memory_space<hbm>>) dst(%arg14 : memref<158x128xi32, #tpu.memory_space<vmem>>)
      tpu.yield
    }) : () -> ()
    "tpu.region"() ({
      %run_scoped3A = tpu.sem_alloc : memref<!tpu.dma_semaphore, #tpu.memory_space<semaphore_mem>>
      tpu.enqueue_dma source(%arg7 : memref<16xf32, #tpu.memory_space<hbm>>) target(%arg18 : memref<16xf32, #tpu.memory_space<vmem>>) target_semaphore(%run_scoped3A : memref<!tpu.dma_semaphore, #tpu.memory_space<semaphore_mem>>)
      tpu.wait_dma2 semaphore(%run_scoped3A : memref<!tpu.dma_semaphore, #tpu.memory_space<semaphore_mem>>) src(%arg7 : memref<16xf32, #tpu.memory_space<hbm>>) dst(%arg18 : memref<16xf32, #tpu.memory_space<vmem>>)
      tpu.yield
    }) : () -> ()
    "tpu.region"() ({
      %run_scoped3A = tpu.sem_alloc : memref<!tpu.dma_semaphore, #tpu.memory_space<semaphore_mem>>
      %dma_start3A_50 = arith.constant 0 : i32
      %dma_start3A_51 = arith.constant 0 : i32
      %dma_start3A_52 = tpu.memref_slice %arg8[%dma_start3A_50, %dma_start3A_51] : memref<320x128xf32, #tpu.memory_space<hbm>> -> memref<80x128xf32, #tpu.memory_space<hbm>>
      %dma_start3A_53 = arith.constant 0 : i32
      %dma_start3A_54 = arith.constant 0 : i32
      %dma_start3A_55 = tpu.memref_slice %arg8[%dma_start3A_53, %dma_start3A_54] : memref<320x128xf32, #tpu.memory_space<hbm>> -> memref<80x128xf32, #tpu.memory_space<hbm>>
      tpu.enqueue_dma source(%dma_start3A_55 : memref<80x128xf32, #tpu.memory_space<hbm>>) target(%arg19 : memref<80x128xf32, #tpu.memory_space<vmem>>) target_semaphore(%run_scoped3A : memref<!tpu.dma_semaphore, #tpu.memory_space<semaphore_mem>>)
      %dma_wait3A_56 = arith.constant 0 : i32
      %dma_wait3A_57 = arith.constant 0 : i32
      %dma_wait3A_58 = tpu.memref_slice %arg8[%dma_wait3A_56, %dma_wait3A_57] : memref<320x128xf32, #tpu.memory_space<hbm>> -> memref<80x128xf32, #tpu.memory_space<hbm>>
      %dma_wait3A_59 = arith.constant 0 : i32
      %dma_wait3A_60 = arith.constant 0 : i32
      %dma_wait3A_61 = tpu.memref_slice %arg8[%dma_wait3A_59, %dma_wait3A_60] : memref<320x128xf32, #tpu.memory_space<hbm>> -> memref<80x128xf32, #tpu.memory_space<hbm>>
      tpu.wait_dma2 semaphore(%run_scoped3A : memref<!tpu.dma_semaphore, #tpu.memory_space<semaphore_mem>>) src(%dma_wait3A_61 : memref<80x128xf32, #tpu.memory_space<hbm>>) dst(%arg19 : memref<80x128xf32, #tpu.memory_space<vmem>>)
      tpu.yield
    }) : () -> ()
    %mul3A = arith.constant 320 : i32
    %mul3A_0 = arith.muli %arg1, %mul3A : i32
    "tpu.region"() ({
      %run_scoped3A = tpu.sem_alloc : memref<!tpu.dma_semaphore, #tpu.memory_space<semaphore_mem>>
      %dma_start3A_50 = arith.constant 0 : i32
      %dma_start3A_51 = tpu.memref_slice %arg20[%mul3A_0, %dma_start3A_50] : memref<5120x128xf32, #tpu.memory_space<vmem_shared>> -> memref<320x128xf32, #tpu.memory_space<vmem_shared>>
      tpu.enqueue_dma source(%arg8 : memref<320x128xf32, #tpu.memory_space<hbm>>) target(%dma_start3A_51 : memref<320x128xf32, #tpu.memory_space<vmem_shared>>) target_semaphore(%run_scoped3A : memref<!tpu.dma_semaphore, #tpu.memory_space<semaphore_mem>>)
      %dma_wait3A_52 = arith.constant 0 : i32
      %dma_wait3A_53 = tpu.memref_slice %arg20[%mul3A_0, %dma_wait3A_52] : memref<5120x128xf32, #tpu.memory_space<vmem_shared>> -> memref<320x128xf32, #tpu.memory_space<vmem_shared>>
      tpu.wait_dma2 semaphore(%run_scoped3A : memref<!tpu.dma_semaphore, #tpu.memory_space<semaphore_mem>>) src(%arg8 : memref<320x128xf32, #tpu.memory_space<hbm>>) dst(%dma_wait3A_53 : memref<320x128xf32, #tpu.memory_space<vmem_shared>>)
      tpu.yield
    }) : () -> ()
    %barrier3A = arith.constant 0 : index
    tpu.barrier barrier_id(%barrier3A)
    %get3A = arith.constant 0 : index
    %get3A_1 = tpu.vector_load %arg18[%get3A] {strides = array<i32>} : memref<16xf32, #tpu.memory_space<vmem>>, vector<16xf32>,
    %mul3A_2 = arith.constant 5120 : i32
    %mul3A_3 = arith.muli %arg0, %mul3A_2 : i32
    %dma_start3A = arith.constant 0 : i32
    %dma_start3A_4 = arith.constant 0 : i32
    %dma_start3A_5 = arith.constant 0 : i32
    %dma_start3A_6 = arith.constant 0 : i32
    %dma_start3A_7 = tpu.memref_slice %arg16[%dma_start3A_5, %dma_start3A_6] : memref<128x128xf32, #tpu.memory_space<vmem>> -> memref<64x128xf32, #tpu.memory_space<vmem>>
    %dma_start3A_8 = arith.constant 0 : i32
    %dma_start3A_9 = tpu.memref_slice %arg14[%dma_start3A, %dma_start3A_8] : memref<158x128xi32, #tpu.memory_space<vmem>> -> memref<1x128xi32, #tpu.memory_space<vmem>>
    %dma_start3A_10 = tpu.memref_squeeze %dma_start3A_9 : memref<1x128xi32, #tpu.memory_space<vmem>> -> memref<128xi32, #tpu.memory_space<vmem>>
    %dma_start3A_11 = arith.constant 0 : i32
    %dma_start3A_12 = tpu.memref_slice %dma_start3A_10[%dma_start3A_11] : memref<128xi32, #tpu.memory_space<vmem>> -> memref<64xi32, #tpu.memory_space<vmem>>
    %dma_start3A_13 = arith.constant 0 : i32
    %dma_start3A_14 = arith.constant 0 : i32
    %dma_start3A_15 = tpu.memref_slice %arg2[%dma_start3A_13, %dma_start3A_14] : memref<10240x128xf32, #tpu.memory_space<hbm>> -> memref<10240x128xf32, #tpu.memory_space<hbm>>
    %dma_start3A_16 = tpu.memref_slice %arg21[%dma_start3A_4] : memref<2x!tpu.dma_semaphore, #tpu.memory_space<semaphore_mem>> -> memref<1x!tpu.dma_semaphore, #tpu.memory_space<semaphore_mem>>
    %dma_start3A_17 = tpu.memref_squeeze %dma_start3A_16 : memref<1x!tpu.dma_semaphore, #tpu.memory_space<semaphore_mem>> -> memref<!tpu.dma_semaphore, #tpu.memory_space<semaphore_mem>>
    tpu.enqueue_indirect_dma source(%dma_start3A_15 : memref<10240x128xf32, #tpu.memory_space<hbm>>) target(%dma_start3A_7 : memref<64x128xf32, #tpu.memory_space<vmem>>) offsets(%dma_start3A_12 : memref<64xi32, #tpu.memory_space<vmem>>) semaphore(%dma_start3A_17 : memref<!tpu.dma_semaphore, #tpu.memory_space<semaphore_mem>>)
    %scan3A = arith.constant 0 : i32
    %scan3A_18 = arith.constant 314 : i32
    %scan3A_19 = arith.addi %scan3A, %scan3A_18 : i32
    %scan3A_20 = arith.constant 1 : i32
    scf.for %scan3A_50 = %scan3A to %scan3A_19 step %scan3A_20  : i32 {
      %mul3A_51 = arith.constant 1 : i32
      %mul3A_52 = arith.muli %scan3A_50, %mul3A_51 : i32
      %add3A = arith.constant 0 : i32
      %add3A_53 = arith.addi %add3A, %mul3A_52 : i32
      %shift_right_arithmetic3A = arith.constant 1 : i32
      %shift_right_arithmetic3A_54 = arith.shrsi %add3A_53, %shift_right_arithmetic3A : i32
      %and3A = arith.constant 1 : i32
      %and3A_55 = arith.andi %add3A_53, %and3A : i32
      %mul3A_56 = arith.constant 64 : i32
      %mul3A_57 = arith.muli %and3A_55, %mul3A_56 : i32
      %add3A_58 = arith.constant 1 : i32
      %add3A_59 = arith.addi %add3A_53, %add3A_58 : i32
      %shift_right_arithmetic3A_60 = arith.constant 1 : i32
      %shift_right_arithmetic3A_61 = arith.shrsi %add3A_59, %shift_right_arithmetic3A_60 : i32
      %sub3A = arith.constant 64 : i32
      %sub3A_62 = arith.subi %sub3A, %mul3A_57 : i32
      %scan3A_63 = arith.constant 0 : i32
      %scan3A_64 = arith.constant 4 : i32
      %scan3A_65 = arith.addi %scan3A_63, %scan3A_64 : i32
      %scan3A_66 = arith.constant 1 : i32
      scf.for %scan3A_113 = %scan3A_63 to %scan3A_65 step %scan3A_66  : i32 {
        %mul3A_114 = arith.constant 1 : i32
        %mul3A_115 = arith.muli %scan3A_113, %mul3A_114 : i32
        %add3A_116 = arith.constant 0 : i32
        %add3A_117 = arith.addi %add3A_116, %mul3A_115 : i32
        %mul3A_118 = arith.constant 16 : i32
        %mul3A_119 = arith.muli %add3A_117, %mul3A_118 : i32
        %add3A_120 = arith.addi %mul3A_57, %mul3A_119 : i32
        %get3A_121 = arith.index_cast %shift_right_arithmetic3A_54 : i32 to index
        %get3A_122 = arith.index_cast %add3A_120 : i32 to index
        %get3A_123 = tpu.vector_load %arg13[%get3A_121, %get3A_122] {strides = array<i32>} : memref<158x128xi32, #tpu.memory_space<vmem>>, vector<16xi32>,
        %mul3A_124 = arith.constant 16 : i32
        %mul3A_125 = arith.muli %add3A_117, %mul3A_124 : i32
        %add3A_126 = arith.addi %mul3A_57, %mul3A_125 : i32
        %get3A_127 = arith.index_cast %shift_right_arithmetic3A_54 : i32 to index
        %get3A_128 = arith.index_cast %add3A_126 : i32 to index
        %get3A_129 = tpu.vector_load %arg14[%get3A_127, %get3A_128] {strides = array<i32>} : memref<158x128xi32, #tpu.memory_space<vmem>>, vector<16xi32>,
        %shift_right_logical3A = arith.constant 7 : i32
        %shift_right_logical3A_130 = vector.broadcast %shift_right_logical3A : i32 to vector<16xi32>
        %shift_right_logical3A_131 = arith.shrui %get3A_123, %shift_right_logical3A_130 : vector<16xi32>
        %and3A_132 = arith.constant 127 : i32
        %and3A_133 = vector.broadcast %and3A_132 : i32 to vector<16xi32>
        %and3A_134 = arith.andi %get3A_123, %and3A_133 : vector<16xi32>
        %gather3A = tpu.vector_load_idx %arg11[%shift_right_logical3A_131, %and3A_134] : memref<80x128xf32, #tpu.memory_space<vmem>>[vector<16xi32>, vector<16xi32>], vector<16xf32>,
        %shift_right_logical3A_135 = arith.constant 7 : i32
        %shift_right_logical3A_136 = vector.broadcast %shift_right_logical3A_135 : i32 to vector<16xi32>
        %shift_right_logical3A_137 = arith.shrui %get3A_129, %shift_right_logical3A_136 : vector<16xi32>
        %and3A_138 = arith.constant 127 : i32
        %and3A_139 = vector.broadcast %and3A_138 : i32 to vector<16xi32>
        %and3A_140 = arith.andi %get3A_129, %and3A_139 : vector<16xi32>
        %gather3A_141 = tpu.vector_load_idx %arg12[%shift_right_logical3A_137, %and3A_140] : memref<80x128xf32, #tpu.memory_space<vmem>>[vector<16xi32>, vector<16xi32>], vector<16xf32>,
        %add3A_142 = arith.addf %gather3A, %gather3A_141 : vector<16xf32>
        %mul3A_143 = arith.constant 2.000000e-01 : f32
        %mul3A_144 = vector.broadcast %mul3A_143 : f32 to vector<16xf32>
        %mul3A_145 = arith.mulf %mul3A_144, %add3A_142 : vector<16xf32>
        %max3A = arith.maximumf %add3A_142, %mul3A_145 : vector<16xf32>
        %add3A_146 = arith.addf %gather3A, %get3A_1 : vector<16xf32>
        %mul3A_147 = arith.constant 2.000000e-01 : f32
        %mul3A_148 = vector.broadcast %mul3A_147 : f32 to vector<16xf32>
        %mul3A_149 = arith.mulf %mul3A_148, %add3A_146 : vector<16xf32>
        %max3A_150 = arith.maximumf %add3A_146, %mul3A_149 : vector<16xf32>
        %max3A_151 = arith.constant 0.000000e+00 : f32
        %max3A_152 = vector.broadcast %max3A_151 : f32 to vector<16xf32>
        %max3A_153 = arith.maximumf %max3A_150, %max3A_152 : vector<16xf32>
        %sub3A_154 = vector.broadcast %mul3A_3 : i32 to vector<16xi32>
        %sub3A_155 = arith.subi %get3A_123, %sub3A_154 : vector<16xi32>
        %ge3A = arith.constant 0 : i32
        %ge3A_156 = vector.broadcast %ge3A : i32 to vector<16xi32>
        %ge3A_157 = arith.cmpi sge, %sub3A_155, %ge3A_156 : vector<16xi32>
        %lt3A = arith.constant 5120 : i32
        %lt3A_158 = vector.broadcast %lt3A : i32 to vector<16xi32>
        %lt3A_159 = arith.cmpi slt, %sub3A_155, %lt3A_158 : vector<16xi32>
        %and3A_160 = arith.andi %ge3A_157, %lt3A_159 : vector<16xi1>
        %sub3A_161 = arith.subf %max3A, %max3A_153 : vector<16xf32>
        %exp3A = math.exp %sub3A_161 : vector<16xf32>
        %jit3A = arith.constant 0.000000e+00 : f32
        %broadcast_in_dim3A = vector.broadcast %jit3A : f32 to vector<16xf32>
        %select_n3A = arith.select %and3A_160, %exp3A, %broadcast_in_dim3A : vector<16xi1>, vector<16xf32>
        %mul3A_162 = arith.constant 16 : i32
        %mul3A_163 = arith.muli %add3A_117, %mul3A_162 : i32
        %swap3A = arith.index_cast %mul3A_163 : i32 to index
        %swap3A_164 = tpu.vector_load %arg17[%swap3A] {strides = array<i32>} : memref<64xf32, #tpu.memory_space<vmem>>, vector<16xf32>,
        tpu.vector_store %arg17[%swap3A], %select_n3A {strides = array<i32>} : memref<64xf32, #tpu.memory_space<vmem>>, vector<16xf32>,
        %jit3A_165 = arith.constant 0 : i32
        %broadcast_in_dim3A_166 = vector.broadcast %jit3A_165 : i32 to vector<16xi32>
        %select_n3A_167 = arith.select %and3A_160, %sub3A_155, %broadcast_in_dim3A_166 : vector<16xi1>, vector<16xi32>
        %mul3A_168 = arith.constant 16 : i32
        %mul3A_169 = arith.muli %add3A_117, %mul3A_168 : i32
        %add3A_170 = arith.addi %mul3A_57, %mul3A_169 : i32
        %swap3A_171 = arith.index_cast %add3A_170 : i32 to index
        %swap3A_172 = tpu.vector_load %arg15[%swap3A_171] {strides = array<i32>} : memref<128xi32, #tpu.memory_space<vmem>>, vector<16xi32>,
        tpu.vector_store %arg15[%swap3A_171], %select_n3A_167 {strides = array<i32>} : memref<128xi32, #tpu.memory_space<vmem>>, vector<16xi32>,
        %shift_right_logical3A_173 = arith.constant 7 : i32
        %shift_right_logical3A_174 = vector.broadcast %shift_right_logical3A_173 : i32 to vector<16xi32>
        %shift_right_logical3A_175 = arith.shrui %get3A_123, %shift_right_logical3A_174 : vector<16xi32>
        %and3A_176 = arith.constant 127 : i32
        %and3A_177 = vector.broadcast %and3A_176 : i32 to vector<16xi32>
        %and3A_178 = arith.andi %get3A_123, %and3A_177 : vector<16xi32>
        tpu.vector_store_idx %arg19[%shift_right_logical3A_175, %and3A_178], %select_n3A {add = true} : memref<80x128xf32, #tpu.memory_space<vmem>>[vector<16xi32>, vector<16xi32>], vector<16xf32>,
      }
      %scan3A_67 = arith.constant 4 : i32
      %and3A_68 = arith.constant 1 : i32
      %and3A_69 = arith.andi %add3A_53, %and3A_68 : i32
      %dma_wait3A_70 = arith.constant 0 : i32
      %dma_wait3A_71 = tpu.memref_slice %arg16[%mul3A_57, %dma_wait3A_70] : memref<128x128xf32, #tpu.memory_space<vmem>> -> memref<64x128xf32, #tpu.memory_space<vmem>>
      %dma_wait3A_72 = arith.constant 0 : i32
      %dma_wait3A_73 = tpu.memref_slice %arg14[%shift_right_arithmetic3A_54, %dma_wait3A_72] : memref<158x128xi32, #tpu.memory_space<vmem>> -> memref<1x128xi32, #tpu.memory_space<vmem>>
      %dma_wait3A_74 = tpu.memref_squeeze %dma_wait3A_73 : memref<1x128xi32, #tpu.memory_space<vmem>> -> memref<128xi32, #tpu.memory_space<vmem>>
      %dma_wait3A_75 = tpu.memref_slice %dma_wait3A_74[%mul3A_57] : memref<128xi32, #tpu.memory_space<vmem>> -> memref<64xi32, #tpu.memory_space<vmem>>
      %dma_wait3A_76 = arith.constant 0 : i32
      %dma_wait3A_77 = arith.constant 0 : i32
      %dma_wait3A_78 = tpu.memref_slice %arg2[%dma_wait3A_76, %dma_wait3A_77] : memref<10240x128xf32, #tpu.memory_space<hbm>> -> memref<10240x128xf32, #tpu.memory_space<hbm>>
      %dma_wait3A_79 = tpu.memref_slice %arg21[%and3A_69] : memref<2x!tpu.dma_semaphore, #tpu.memory_space<semaphore_mem>> -> memref<1x!tpu.dma_semaphore, #tpu.memory_space<semaphore_mem>>
      %dma_wait3A_80 = tpu.memref_squeeze %dma_wait3A_79 : memref<1x!tpu.dma_semaphore, #tpu.memory_space<semaphore_mem>> -> memref<!tpu.dma_semaphore, #tpu.memory_space<semaphore_mem>>
      tpu.wait_indirect_dma semaphore(%dma_wait3A_80 : memref<!tpu.dma_semaphore, #tpu.memory_space<semaphore_mem>>) src(%dma_wait3A_78 : memref<10240x128xf32, #tpu.memory_space<hbm>>) dst(%dma_wait3A_71 : memref<64x128xf32, #tpu.memory_space<vmem>>)
      %gt3A = arith.constant 0 : i32
      %gt3A_81 = arith.cmpi sgt, %add3A_53, %gt3A : i32
      %convert_element_type3A = arith.extui %gt3A_81 : i1 to i32
      %cond3A = arith.constant 0 : i32
      %cond3A_82 = arith.cmpi ne, %convert_element_type3A, %cond3A : i32
      scf.if %cond3A_82 {
        %add3A_113 = arith.constant 1 : i32
        %add3A_114 = arith.addi %add3A_53, %add3A_113 : i32
        %and3A_115 = arith.constant 1 : i32
        %and3A_116 = arith.andi %add3A_114, %and3A_115 : i32
        %dma_wait3A_117 = arith.constant 0 : i32
        %dma_wait3A_118 = tpu.memref_slice %arg16[%sub3A_62, %dma_wait3A_117] : memref<128x128xf32, #tpu.memory_space<vmem>> -> memref<64x128xf32, #tpu.memory_space<vmem>>
        %dma_wait3A_119 = tpu.memref_slice %arg15[%sub3A_62] : memref<128xi32, #tpu.memory_space<vmem>> -> memref<64xi32, #tpu.memory_space<vmem>>
        %dma_wait3A_120 = arith.constant 0 : i32
        %dma_wait3A_121 = arith.constant 0 : i32
        %dma_wait3A_122 = tpu.memref_slice %arg20[%dma_wait3A_120, %dma_wait3A_121] : memref<5120x128xf32, #tpu.memory_space<vmem_shared>> -> memref<5120x128xf32, #tpu.memory_space<vmem_shared>>
        %dma_wait3A_123 = tpu.memref_slice %arg22[%and3A_116] : memref<2x!tpu.dma_semaphore, #tpu.memory_space<semaphore_mem>> -> memref<1x!tpu.dma_semaphore, #tpu.memory_space<semaphore_mem>>
        %dma_wait3A_124 = tpu.memref_squeeze %dma_wait3A_123 : memref<1x!tpu.dma_semaphore, #tpu.memory_space<semaphore_mem>> -> memref<!tpu.dma_semaphore, #tpu.memory_space<semaphore_mem>>
        tpu.wait_indirect_dma semaphore(%dma_wait3A_124 : memref<!tpu.dma_semaphore, #tpu.memory_space<semaphore_mem>>) src(%dma_wait3A_118 : memref<64x128xf32, #tpu.memory_space<vmem>>) dst(%dma_wait3A_122 : memref<5120x128xf32, #tpu.memory_space<vmem_shared>>)
      } else {
      }
      %add3A_83 = arith.constant 1 : i32
      %add3A_84 = arith.addi %add3A_53, %add3A_83 : i32
      %and3A_85 = arith.constant 1 : i32
      %and3A_86 = arith.andi %add3A_84, %and3A_85 : i32
      %dma_start3A_87 = arith.constant 0 : i32
      %dma_start3A_88 = tpu.memref_slice %arg16[%sub3A_62, %dma_start3A_87] : memref<128x128xf32, #tpu.memory_space<vmem>> -> memref<64x128xf32, #tpu.memory_space<vmem>>
      %dma_start3A_89 = arith.constant 0 : i32
      %dma_start3A_90 = tpu.memref_slice %arg14[%shift_right_arithmetic3A_61, %dma_start3A_89] : memref<158x128xi32, #tpu.memory_space<vmem>> -> memref<1x128xi32, #tpu.memory_space<vmem>>
      %dma_start3A_91 = tpu.memref_squeeze %dma_start3A_90 : memref<1x128xi32, #tpu.memory_space<vmem>> -> memref<128xi32, #tpu.memory_space<vmem>>
      %dma_start3A_92 = tpu.memref_slice %dma_start3A_91[%sub3A_62] : memref<128xi32, #tpu.memory_space<vmem>> -> memref<64xi32, #tpu.memory_space<vmem>>
      %dma_start3A_93 = arith.constant 0 : i32
      %dma_start3A_94 = arith.constant 0 : i32
      %dma_start3A_95 = tpu.memref_slice %arg2[%dma_start3A_93, %dma_start3A_94] : memref<10240x128xf32, #tpu.memory_space<hbm>> -> memref<10240x128xf32, #tpu.memory_space<hbm>>
      %dma_start3A_96 = tpu.memref_slice %arg21[%and3A_86] : memref<2x!tpu.dma_semaphore, #tpu.memory_space<semaphore_mem>> -> memref<1x!tpu.dma_semaphore, #tpu.memory_space<semaphore_mem>>
      %dma_start3A_97 = tpu.memref_squeeze %dma_start3A_96 : memref<1x!tpu.dma_semaphore, #tpu.memory_space<semaphore_mem>> -> memref<!tpu.dma_semaphore, #tpu.memory_space<semaphore_mem>>
      tpu.enqueue_indirect_dma source(%dma_start3A_95 : memref<10240x128xf32, #tpu.memory_space<hbm>>) target(%dma_start3A_88 : memref<64x128xf32, #tpu.memory_space<vmem>>) offsets(%dma_start3A_92 : memref<64xi32, #tpu.memory_space<vmem>>) semaphore(%dma_start3A_97 : memref<!tpu.dma_semaphore, #tpu.memory_space<semaphore_mem>>)
      %scan3A_98 = arith.constant 0 : i32
      %scan3A_99 = arith.constant 64 : i32
      %scan3A_100 = arith.addi %scan3A_98, %scan3A_99 : i32
      %scan3A_101 = arith.constant 1 : i32
      scf.for %scan3A_113 = %scan3A_98 to %scan3A_100 step %scan3A_101  : i32 {
        %mul3A_114 = arith.constant 1 : i32
        %mul3A_115 = arith.muli %scan3A_113, %mul3A_114 : i32
        %add3A_116 = arith.constant 0 : i32
        %add3A_117 = arith.addi %add3A_116, %mul3A_115 : i32
        %broadcast_in_dim3A = vector.broadcast %add3A_117 : i32 to vector<16xi32>
        %gather3A = tpu.vector_load_idx %arg17[%broadcast_in_dim3A] : memref<64xf32, #tpu.memory_space<vmem>>[vector<16xi32>], vector<16xf32>,
        %add3A_118 = arith.addi %mul3A_57, %add3A_117 : i32
        %get3A_119 = arith.index_cast %add3A_118 : i32 to index
        %get3A_120 = arith.constant 0 : index
        %get3A_121 = tpu.vector_load %arg16[%get3A_119, %get3A_120] {strides = array<i32>} : memref<128x128xf32, #tpu.memory_space<vmem>>, vector<16xf32>,
        %mul3A_122 = arith.mulf %get3A_121, %gather3A : vector<16xf32>
        %add3A_123 = arith.addi %mul3A_57, %add3A_117 : i32
        %swap3A = arith.index_cast %add3A_123 : i32 to index
        %swap3A_124 = arith.constant 0 : index
        %swap3A_125 = tpu.vector_load %arg16[%swap3A, %swap3A_124] {strides = array<i32>} : memref<128x128xf32, #tpu.memory_space<vmem>>, vector<16xf32>,
        tpu.vector_store %arg16[%swap3A, %swap3A_124], %mul3A_122 {strides = array<i32>} : memref<128x128xf32, #tpu.memory_space<vmem>>, vector<16xf32>,
        %add3A_126 = arith.addi %mul3A_57, %add3A_117 : i32
        %get3A_127 = arith.index_cast %add3A_126 : i32 to index
        %get3A_128 = arith.constant 16 : index
        %get3A_129 = tpu.vector_load %arg16[%get3A_127, %get3A_128] {strides = array<i32>} : memref<128x128xf32, #tpu.memory_space<vmem>>, vector<16xf32>,
        %mul3A_130 = arith.mulf %get3A_129, %gather3A : vector<16xf32>
        %add3A_131 = arith.addi %mul3A_57, %add3A_117 : i32
        %swap3A_132 = arith.index_cast %add3A_131 : i32 to index
        %swap3A_133 = arith.constant 16 : index
        %swap3A_134 = tpu.vector_load %arg16[%swap3A_132, %swap3A_133] {strides = array<i32>} : memref<128x128xf32, #tpu.memory_space<vmem>>, vector<16xf32>,
        tpu.vector_store %arg16[%swap3A_132, %swap3A_133], %mul3A_130 {strides = array<i32>} : memref<128x128xf32, #tpu.memory_space<vmem>>, vector<16xf32>,
        %add3A_135 = arith.addi %mul3A_57, %add3A_117 : i32
        %get3A_136 = arith.index_cast %add3A_135 : i32 to index
        %get3A_137 = arith.constant 32 : index
        %get3A_138 = tpu.vector_load %arg16[%get3A_136, %get3A_137] {strides = array<i32>} : memref<128x128xf32, #tpu.memory_space<vmem>>, vector<16xf32>,
        %mul3A_139 = arith.mulf %get3A_138, %gather3A : vector<16xf32>
        %add3A_140 = arith.addi %mul3A_57, %add3A_117 : i32
        %swap3A_141 = arith.index_cast %add3A_140 : i32 to index
        %swap3A_142 = arith.constant 32 : index
        %swap3A_143 = tpu.vector_load %arg16[%swap3A_141, %swap3A_142] {strides = array<i32>} : memref<128x128xf32, #tpu.memory_space<vmem>>, vector<16xf32>,
        tpu.vector_store %arg16[%swap3A_141, %swap3A_142], %mul3A_139 {strides = array<i32>} : memref<128x128xf32, #tpu.memory_space<vmem>>, vector<16xf32>,
        %add3A_144 = arith.addi %mul3A_57, %add3A_117 : i32
        %get3A_145 = arith.index_cast %add3A_144 : i32 to index
        %get3A_146 = arith.constant 48 : index
        %get3A_147 = tpu.vector_load %arg16[%get3A_145, %get3A_146] {strides = array<i32>} : memref<128x128xf32, #tpu.memory_space<vmem>>, vector<16xf32>,
        %mul3A_148 = arith.mulf %get3A_147, %gather3A : vector<16xf32>
        %add3A_149 = arith.addi %mul3A_57, %add3A_117 : i32
        %swap3A_150 = arith.index_cast %add3A_149 : i32 to index
        %swap3A_151 = arith.constant 48 : index
        %swap3A_152 = tpu.vector_load %arg16[%swap3A_150, %swap3A_151] {strides = array<i32>} : memref<128x128xf32, #tpu.memory_space<vmem>>, vector<16xf32>,
        tpu.vector_store %arg16[%swap3A_150, %swap3A_151], %mul3A_148 {strides = array<i32>} : memref<128x128xf32, #tpu.memory_space<vmem>>, vector<16xf32>,
        %add3A_153 = arith.addi %mul3A_57, %add3A_117 : i32
        %get3A_154 = arith.index_cast %add3A_153 : i32 to index
        %get3A_155 = arith.constant 64 : index
        %get3A_156 = tpu.vector_load %arg16[%get3A_154, %get3A_155] {strides = array<i32>} : memref<128x128xf32, #tpu.memory_space<vmem>>, vector<16xf32>,
        %mul3A_157 = arith.mulf %get3A_156, %gather3A : vector<16xf32>
        %add3A_158 = arith.addi %mul3A_57, %add3A_117 : i32
        %swap3A_159 = arith.index_cast %add3A_158 : i32 to index
        %swap3A_160 = arith.constant 64 : index
        %swap3A_161 = tpu.vector_load %arg16[%swap3A_159, %swap3A_160] {strides = array<i32>} : memref<128x128xf32, #tpu.memory_space<vmem>>, vector<16xf32>,
        tpu.vector_store %arg16[%swap3A_159, %swap3A_160], %mul3A_157 {strides = array<i32>} : memref<128x128xf32, #tpu.memory_space<vmem>>, vector<16xf32>,
        %add3A_162 = arith.addi %mul3A_57, %add3A_117 : i32
        %get3A_163 = arith.index_cast %add3A_162 : i32 to index
        %get3A_164 = arith.constant 80 : index
        %get3A_165 = tpu.vector_load %arg16[%get3A_163, %get3A_164] {strides = array<i32>} : memref<128x128xf32, #tpu.memory_space<vmem>>, vector<16xf32>,
        %mul3A_166 = arith.mulf %get3A_165, %gather3A : vector<16xf32>
        %add3A_167 = arith.addi %mul3A_57, %add3A_117 : i32
        %swap3A_168 = arith.index_cast %add3A_167 : i32 to index
        %swap3A_169 = arith.constant 80 : index
        %swap3A_170 = tpu.vector_load %arg16[%swap3A_168, %swap3A_169] {strides = array<i32>} : memref<128x128xf32, #tpu.memory_space<vmem>>, vector<16xf32>,
        tpu.vector_store %arg16[%swap3A_168, %swap3A_169], %mul3A_166 {strides = array<i32>} : memref<128x128xf32, #tpu.memory_space<vmem>>, vector<16xf32>,
        %add3A_171 = arith.addi %mul3A_57, %add3A_117 : i32
        %get3A_172 = arith.index_cast %add3A_171 : i32 to index
        %get3A_173 = arith.constant 96 : index
        %get3A_174 = tpu.vector_load %arg16[%get3A_172, %get3A_173] {strides = array<i32>} : memref<128x128xf32, #tpu.memory_space<vmem>>, vector<16xf32>,
        %mul3A_175 = arith.mulf %get3A_174, %gather3A : vector<16xf32>
        %add3A_176 = arith.addi %mul3A_57, %add3A_117 : i32
        %swap3A_177 = arith.index_cast %add3A_176 : i32 to index
        %swap3A_178 = arith.constant 96 : index
        %swap3A_179 = tpu.vector_load %arg16[%swap3A_177, %swap3A_178] {strides = array<i32>} : memref<128x128xf32, #tpu.memory_space<vmem>>, vector<16xf32>,
        tpu.vector_store %arg16[%swap3A_177, %swap3A_178], %mul3A_175 {strides = array<i32>} : memref<128x128xf32, #tpu.memory_space<vmem>>, vector<16xf32>,
        %add3A_180 = arith.addi %mul3A_57, %add3A_117 : i32
        %get3A_181 = arith.index_cast %add3A_180 : i32 to index
        %get3A_182 = arith.constant 112 : index
        %get3A_183 = tpu.vector_load %arg16[%get3A_181, %get3A_182] {strides = array<i32>} : memref<128x128xf32, #tpu.memory_space<vmem>>, vector<16xf32>,
        %mul3A_184 = arith.mulf %get3A_183, %gather3A : vector<16xf32>
        %add3A_185 = arith.addi %mul3A_57, %add3A_117 : i32
        %swap3A_186 = arith.index_cast %add3A_185 : i32 to index
        %swap3A_187 = arith.constant 112 : index
        %swap3A_188 = tpu.vector_load %arg16[%swap3A_186, %swap3A_187] {strides = array<i32>} : memref<128x128xf32, #tpu.memory_space<vmem>>, vector<16xf32>,
        tpu.vector_store %arg16[%swap3A_186, %swap3A_187], %mul3A_184 {strides = array<i32>} : memref<128x128xf32, #tpu.memory_space<vmem>>, vector<16xf32>,
      }
      %scan3A_102 = arith.constant 64 : i32
      %and3A_103 = arith.constant 1 : i32
      %and3A_104 = arith.andi %add3A_53, %and3A_103 : i32
      %dma_start3A_105 = arith.constant 0 : i32
      %dma_start3A_106 = tpu.memref_slice %arg16[%mul3A_57, %dma_start3A_105] : memref<128x128xf32, #tpu.memory_space<vmem>> -> memref<64x128xf32, #tpu.memory_space<vmem>>
      %dma_start3A_107 = tpu.memref_slice %arg15[%mul3A_57] : memref<128xi32, #tpu.memory_space<vmem>> -> memref<64xi32, #tpu.memory_space<vmem>>
      %dma_start3A_108 = arith.constant 0 : i32
      %dma_start3A_109 = arith.constant 0 : i32
      %dma_start3A_110 = tpu.memref_slice %arg20[%dma_start3A_108, %dma_start3A_109] : memref<5120x128xf32, #tpu.memory_space<vmem_shared>> -> memref<5120x128xf32, #tpu.memory_space<vmem_shared>>
      %dma_start3A_111 = tpu.memref_slice %arg22[%and3A_104] : memref<2x!tpu.dma_semaphore, #tpu.memory_space<semaphore_mem>> -> memref<1x!tpu.dma_semaphore, #tpu.memory_space<semaphore_mem>>
      %dma_start3A_112 = tpu.memref_squeeze %dma_start3A_111 : memref<1x!tpu.dma_semaphore, #tpu.memory_space<semaphore_mem>> -> memref<!tpu.dma_semaphore, #tpu.memory_space<semaphore_mem>>
      tpu.enqueue_indirect_dma source(%dma_start3A_106 : memref<64x128xf32, #tpu.memory_space<vmem>>) target(%dma_start3A_110 : memref<5120x128xf32, #tpu.memory_space<vmem_shared>>) offsets(%dma_start3A_107 : memref<64xi32, #tpu.memory_space<vmem>>) semaphore(%dma_start3A_112 : memref<!tpu.dma_semaphore, #tpu.memory_space<semaphore_mem>>) {add = true}
    }
    %scan3A_21 = arith.constant 314 : i32
    %dma_wait3A = arith.constant 157 : i32
    %dma_wait3A_22 = arith.constant 0 : i32
    %dma_wait3A_23 = arith.constant 0 : i32
    %dma_wait3A_24 = arith.constant 0 : i32
    %dma_wait3A_25 = tpu.memref_slice %arg16[%dma_wait3A_23, %dma_wait3A_24] : memref<128x128xf32, #tpu.memory_space<vmem>> -> memref<64x128xf32, #tpu.memory_space<vmem>>
    %dma_wait3A_26 = arith.constant 0 : i32
    %dma_wait3A_27 = tpu.memref_slice %arg14[%dma_wait3A, %dma_wait3A_26] : memref<158x128xi32, #tpu.memory_space<vmem>> -> memref<1x128xi32, #tpu.memory_space<vmem>>
    %dma_wait3A_28 = tpu.memref_squeeze %dma_wait3A_27 : memref<1x128xi32, #tpu.memory_space<vmem>> -> memref<128xi32, #tpu.memory_space<vmem>>
    %dma_wait3A_29 = arith.constant 0 : i32
    %dma_wait3A_30 = tpu.memref_slice %dma_wait3A_28[%dma_wait3A_29] : memref<128xi32, #tpu.memory_space<vmem>> -> memref<64xi32, #tpu.memory_space<vmem>>
    %dma_wait3A_31 = arith.constant 0 : i32
    %dma_wait3A_32 = arith.constant 0 : i32
    %dma_wait3A_33 = tpu.memref_slice %arg2[%dma_wait3A_31, %dma_wait3A_32] : memref<10240x128xf32, #tpu.memory_space<hbm>> -> memref<10240x128xf32, #tpu.memory_space<hbm>>
    %dma_wait3A_34 = tpu.memref_slice %arg21[%dma_wait3A_22] : memref<2x!tpu.dma_semaphore, #tpu.memory_space<semaphore_mem>> -> memref<1x!tpu.dma_semaphore, #tpu.memory_space<semaphore_mem>>
    %dma_wait3A_35 = tpu.memref_squeeze %dma_wait3A_34 : memref<1x!tpu.dma_semaphore, #tpu.memory_space<semaphore_mem>> -> memref<!tpu.dma_semaphore, #tpu.memory_space<semaphore_mem>>
    tpu.wait_indirect_dma semaphore(%dma_wait3A_35 : memref<!tpu.dma_semaphore, #tpu.memory_space<semaphore_mem>>) src(%dma_wait3A_33 : memref<10240x128xf32, #tpu.memory_space<hbm>>) dst(%dma_wait3A_25 : memref<64x128xf32, #tpu.memory_space<vmem>>)
    %dma_wait3A_36 = arith.constant 1 : i32
    %dma_wait3A_37 = arith.constant 64 : i32
    %dma_wait3A_38 = arith.constant 0 : i32
    %dma_wait3A_39 = tpu.memref_slice %arg16[%dma_wait3A_37, %dma_wait3A_38] : memref<128x128xf32, #tpu.memory_space<vmem>> -> memref<64x128xf32, #tpu.memory_space<vmem>>
    %dma_wait3A_40 = arith.constant 64 : i32
    %dma_wait3A_41 = tpu.memref_slice %arg15[%dma_wait3A_40] : memref<128xi32, #tpu.memory_space<vmem>> -> memref<64xi32, #tpu.memory_space<vmem>>
    %dma_wait3A_42 = arith.constant 0 : i32
    %dma_wait3A_43 = arith.constant 0 : i32
    %dma_wait3A_44 = tpu.memref_slice %arg20[%dma_wait3A_42, %dma_wait3A_43] : memref<5120x128xf32, #tpu.memory_space<vmem_shared>> -> memref<5120x128xf32, #tpu.memory_space<vmem_shared>>
    %dma_wait3A_45 = tpu.memref_slice %arg22[%dma_wait3A_36] : memref<2x!tpu.dma_semaphore, #tpu.memory_space<semaphore_mem>> -> memref<1x!tpu.dma_semaphore, #tpu.memory_space<semaphore_mem>>
    %dma_wait3A_46 = tpu.memref_squeeze %dma_wait3A_45 : memref<1x!tpu.dma_semaphore, #tpu.memory_space<semaphore_mem>> -> memref<!tpu.dma_semaphore, #tpu.memory_space<semaphore_mem>>
    tpu.wait_indirect_dma semaphore(%dma_wait3A_46 : memref<!tpu.dma_semaphore, #tpu.memory_space<semaphore_mem>>) src(%dma_wait3A_39 : memref<64x128xf32, #tpu.memory_space<vmem>>) dst(%dma_wait3A_44 : memref<5120x128xf32, #tpu.memory_space<vmem_shared>>)
    "tpu.region"() ({
      %run_scoped3A = tpu.sem_alloc : memref<!tpu.dma_semaphore, #tpu.memory_space<semaphore_mem>>
      %dma_start3A_50 = arith.constant 0 : i32
      %dma_start3A_51 = arith.constant 0 : i32
      %dma_start3A_52 = arith.constant 0 : i32
      %dma_start3A_53 = tpu.memref_slice %arg10[%arg0, %dma_start3A_50, %dma_start3A_51, %dma_start3A_52] : memref<2x16x80x128xf32, #tpu.memory_space<hbm>> -> memref<1x16x80x128xf32, #tpu.memory_space<hbm>>
      %dma_start3A_54 = tpu.memref_squeeze %dma_start3A_53 : memref<1x16x80x128xf32, #tpu.memory_space<hbm>> -> memref<16x80x128xf32, #tpu.memory_space<hbm>>
      %dma_start3A_55 = arith.constant 0 : i32
      %dma_start3A_56 = arith.constant 0 : i32
      %dma_start3A_57 = tpu.memref_slice %dma_start3A_54[%arg1, %dma_start3A_55, %dma_start3A_56] : memref<16x80x128xf32, #tpu.memory_space<hbm>> -> memref<1x80x128xf32, #tpu.memory_space<hbm>>
      %dma_start3A_58 = tpu.memref_squeeze %dma_start3A_57 : memref<1x80x128xf32, #tpu.memory_space<hbm>> -> memref<80x128xf32, #tpu.memory_space<hbm>>
      %dma_start3A_59 = arith.constant 0 : i32
      %dma_start3A_60 = arith.constant 0 : i32
      %dma_start3A_61 = arith.constant 0 : i32
      %dma_start3A_62 = tpu.memref_slice %arg10[%arg0, %dma_start3A_59, %dma_start3A_60, %dma_start3A_61] : memref<2x16x80x128xf32, #tpu.memory_space<hbm>> -> memref<1x16x80x128xf32, #tpu.memory_space<hbm>>
      %dma_start3A_63 = tpu.memref_squeeze %dma_start3A_62 : memref<1x16x80x128xf32, #tpu.memory_space<hbm>> -> memref<16x80x128xf32, #tpu.memory_space<hbm>>
      %dma_start3A_64 = arith.constant 0 : i32
      %dma_start3A_65 = arith.constant 0 : i32
      %dma_start3A_66 = tpu.memref_slice %dma_start3A_63[%arg1, %dma_start3A_64, %dma_start3A_65] : memref<16x80x128xf32, #tpu.memory_space<hbm>> -> memref<1x80x128xf32, #tpu.memory_space<hbm>>
      %dma_start3A_67 = tpu.memref_squeeze %dma_start3A_66 : memref<1x80x128xf32, #tpu.memory_space<hbm>> -> memref<80x128xf32, #tpu.memory_space<hbm>>
      tpu.enqueue_dma source(%arg19 : memref<80x128xf32, #tpu.memory_space<vmem>>) target(%dma_start3A_67 : memref<80x128xf32, #tpu.memory_space<hbm>>) target_semaphore(%run_scoped3A : memref<!tpu.dma_semaphore, #tpu.memory_space<semaphore_mem>>)
      %dma_wait3A_68 = arith.constant 0 : i32
      %dma_wait3A_69 = arith.constant 0 : i32
      %dma_wait3A_70 = arith.constant 0 : i32
      %dma_wait3A_71 = tpu.memref_slice %arg10[%arg0, %dma_wait3A_68, %dma_wait3A_69, %dma_wait3A_70] : memref<2x16x80x128xf32, #tpu.memory_space<hbm>> -> memref<1x16x80x128xf32, #tpu.memory_space<hbm>>
      %dma_wait3A_72 = tpu.memref_squeeze %dma_wait3A_71 : memref<1x16x80x128xf32, #tpu.memory_space<hbm>> -> memref<16x80x128xf32, #tpu.memory_space<hbm>>
      %dma_wait3A_73 = arith.constant 0 : i32
      %dma_wait3A_74 = arith.constant 0 : i32
      %dma_wait3A_75 = tpu.memref_slice %dma_wait3A_72[%arg1, %dma_wait3A_73, %dma_wait3A_74] : memref<16x80x128xf32, #tpu.memory_space<hbm>> -> memref<1x80x128xf32, #tpu.memory_space<hbm>>
      %dma_wait3A_76 = tpu.memref_squeeze %dma_wait3A_75 : memref<1x80x128xf32, #tpu.memory_space<hbm>> -> memref<80x128xf32, #tpu.memory_space<hbm>>
      %dma_wait3A_77 = arith.constant 0 : i32
      %dma_wait3A_78 = arith.constant 0 : i32
      %dma_wait3A_79 = arith.constant 0 : i32
      %dma_wait3A_80 = tpu.memref_slice %arg10[%arg0, %dma_wait3A_77, %dma_wait3A_78, %dma_wait3A_79] : memref<2x16x80x128xf32, #tpu.memory_space<hbm>> -> memref<1x16x80x128xf32, #tpu.memory_space<hbm>>
      %dma_wait3A_81 = tpu.memref_squeeze %dma_wait3A_80 : memref<1x16x80x128xf32, #tpu.memory_space<hbm>> -> memref<16x80x128xf32, #tpu.memory_space<hbm>>
      %dma_wait3A_82 = arith.constant 0 : i32
      %dma_wait3A_83 = arith.constant 0 : i32
      %dma_wait3A_84 = tpu.memref_slice %dma_wait3A_81[%arg1, %dma_wait3A_82, %dma_wait3A_83] : memref<16x80x128xf32, #tpu.memory_space<hbm>> -> memref<1x80x128xf32, #tpu.memory_space<hbm>>
      %dma_wait3A_85 = tpu.memref_squeeze %dma_wait3A_84 : memref<1x80x128xf32, #tpu.memory_space<hbm>> -> memref<80x128xf32, #tpu.memory_space<hbm>>
      tpu.wait_dma2 semaphore(%run_scoped3A : memref<!tpu.dma_semaphore, #tpu.memory_space<semaphore_mem>>) src(%arg19 : memref<80x128xf32, #tpu.memory_space<vmem>>) dst(%dma_wait3A_85 : memref<80x128xf32, #tpu.memory_space<hbm>>)
      tpu.yield
    }) : () -> ()
    %barrier3A_47 = arith.constant 0 : index
    tpu.barrier barrier_id(%barrier3A_47)
    %mul3A_48 = arith.constant 320 : i32
    %mul3A_49 = arith.muli %arg1, %mul3A_48 : i32
    "tpu.region"() ({
      %run_scoped3A = tpu.sem_alloc : memref<!tpu.dma_semaphore, #tpu.memory_space<semaphore_mem>>
      %dma_start3A_50 = arith.constant 0 : i32
      %dma_start3A_51 = arith.constant 0 : i32
      %dma_start3A_52 = tpu.memref_slice %arg9[%arg0, %dma_start3A_50, %dma_start3A_51] : memref<2x5120x128xf32, #tpu.memory_space<hbm>> -> memref<1x5120x128xf32, #tpu.memory_space<hbm>>
      %dma_start3A_53 = tpu.memref_squeeze %dma_start3A_52 : memref<1x5120x128xf32, #tpu.memory_space<hbm>> -> memref<5120x128xf32, #tpu.memory_space<hbm>>
      %dma_start3A_54 = arith.constant 0 : i32
      %dma_start3A_55 = tpu.memref_slice %dma_start3A_53[%mul3A_49, %dma_start3A_54] : memref<5120x128xf32, #tpu.memory_space<hbm>> -> memref<320x128xf32, #tpu.memory_space<hbm>>
      %dma_start3A_56 = arith.constant 0 : i32
      %dma_start3A_57 = tpu.memref_slice %arg20[%mul3A_49, %dma_start3A_56] : memref<5120x128xf32, #tpu.memory_space<vmem_shared>> -> memref<320x128xf32, #tpu.memory_space<vmem_shared>>
      tpu.enqueue_dma source(%dma_start3A_57 : memref<320x128xf32, #tpu.memory_space<vmem_shared>>) target(%dma_start3A_55 : memref<320x128xf32, #tpu.memory_space<hbm>>) target_semaphore(%run_scoped3A : memref<!tpu.dma_semaphore, #tpu.memory_space<semaphore_mem>>)
      %dma_wait3A_58 = arith.constant 0 : i32
      %dma_wait3A_59 = arith.constant 0 : i32
      %dma_wait3A_60 = tpu.memref_slice %arg9[%arg0, %dma_wait3A_58, %dma_wait3A_59] : memref<2x5120x128xf32, #tpu.memory_space<hbm>> -> memref<1x5120x128xf32, #tpu.memory_space<hbm>>
      %dma_wait3A_61 = tpu.memref_squeeze %dma_wait3A_60 : memref<1x5120x128xf32, #tpu.memory_space<hbm>> -> memref<5120x128xf32, #tpu.memory_space<hbm>>
      %dma_wait3A_62 = arith.constant 0 : i32
      %dma_wait3A_63 = tpu.memref_slice %dma_wait3A_61[%mul3A_49, %dma_wait3A_62] : memref<5120x128xf32, #tpu.memory_space<hbm>> -> memref<320x128xf32, #tpu.memory_space<hbm>>
      %dma_wait3A_64 = arith.constant 0 : i32
      %dma_wait3A_65 = tpu.memref_slice %arg20[%mul3A_49, %dma_wait3A_64] : memref<5120x128xf32, #tpu.memory_space<vmem_shared>> -> memref<320x128xf32, #tpu.memory_space<vmem_shared>>
      tpu.wait_dma2 semaphore(%run_scoped3A : memref<!tpu.dma_semaphore, #tpu.memory_space<semaphore_mem>>) src(%dma_wait3A_65 : memref<320x128xf32, #tpu.memory_space<vmem_shared>>) dst(%dma_wait3A_63 : memref<320x128xf32, #tpu.memory_space<hbm>>)
      tpu.yield
    }) : () -> ()
    return
  }
}

module attributes {stable_mosaic.version = 14 : i64} {
  func.func @_tc_layer_body(%arg0: i32, %arg1: memref<128x128xf32, #tpu.memory_space<vmem>>, %arg2: memref<128x1xf32, #tpu.memory_space<vmem>>, %arg3: memref<128x1xf32, #tpu.memory_space<vmem>>, %arg4: memref<1x128xf32, #tpu.memory_space<vmem>>, %arg5: memref<1x128xf32, #tpu.memory_space<vmem>>, %arg6: memref<128x128xf32, #tpu.memory_space<vmem>>, %arg7: memref<1x128xf32, #tpu.memory_space<vmem>>, %arg8: memref<1x128xf32, #tpu.memory_space<vmem>>, %arg9: memref<128x128xf32, #tpu.memory_space<vmem>>, %arg10: memref<1x1x128xf32, #tpu.memory_space<vmem>>, %arg11: memref<1x1x128xf32, #tpu.memory_space<vmem>>) attributes {dimension_semantics = [#tpu.dimension_semantics<arbitrary>], iteration_bounds = array<i64: 80>, scalar_prefetch = 0 : i64, scratch_operands = 0 : i64, tpu.core_type = #tpu.core_type<tc>, window_params = [{transform_indices = @transform_0, window_bounds = array<i64: 128, 128>}, {transform_indices = @transform_1, window_bounds = array<i64: 128, 1>}, {transform_indices = @transform_2, window_bounds = array<i64: 128, 1>}, {pipeline_mode = #tpu.pipeline_mode<synchronous>, transform_indices = @transform_3, window_bounds = array<i64: 1, 128>}, {pipeline_mode = #tpu.pipeline_mode<synchronous>, transform_indices = @transform_4, window_bounds = array<i64: 1, 128>}, {pipeline_mode = #tpu.pipeline_mode<synchronous>, transform_indices = @transform_5, window_bounds = array<i64: 128, 128>}, {pipeline_mode = #tpu.pipeline_mode<synchronous>, transform_indices = @transform_6, window_bounds = array<i64: 1, 128>}, {pipeline_mode = #tpu.pipeline_mode<synchronous>, transform_indices = @transform_7, window_bounds = array<i64: 1, 128>}, {transform_indices = @transform_8, window_bounds = array<i64: 128, 128>}, {transform_indices = @transform_9, window_bounds = array<i64: 1, 1, 128>}, {transform_indices = @transform_10, window_bounds = array<i64: 1, 1, 128>}]} {
    %get3A = arith.constant 0 : index
    %get3A_0 = arith.constant 0 : index
    %get3A_1 = vector.load %arg2[%get3A, %get3A_0] : memref<128x1xf32, #tpu.memory_space<vmem>>, vector<128x1xf32>
    %get3A_2 = arith.constant 0 : index
    %get3A_3 = arith.constant 0 : index
    %get3A_4 = vector.load %arg3[%get3A_2, %get3A_3] : memref<128x1xf32, #tpu.memory_space<vmem>>, vector<128x1xf32>
    %add3A = arith.addf %get3A_1, %get3A_4 : vector<128x1xf32>
    %add3A_5 = arith.constant 1.000000e-10 : f32
    %add3A_6 = vector.broadcast %add3A_5 : f32 to vector<128x1xf32>
    %add3A_7 = arith.addf %add3A, %add3A_6 : vector<128x1xf32>
    %get3A_8 = arith.constant 0 : index
    %get3A_9 = arith.constant 0 : index
    %get3A_10 = vector.load %arg1[%get3A_8, %get3A_9] : memref<128x128xf32, #tpu.memory_space<vmem>>, vector<128x128xf32>
    %div3A = vector.broadcast %add3A_7 : vector<128x1xf32> to vector<128x128xf32>
    %div3A_11 = arith.divf %get3A_10, %div3A : vector<128x128xf32>
    %get3A_12 = arith.constant 0 : index
    %get3A_13 = arith.constant 0 : index
    %get3A_14 = vector.load %arg4[%get3A_12, %get3A_13] : memref<1x128xf32, #tpu.memory_space<vmem>>, vector<1x128xf32>
    %get3A_15 = vector.shape_cast %get3A_14 : vector<1x128xf32> to vector<128xf32>
    %broadcast_in_dim3A = vector.shape_cast %get3A_15 : vector<128xf32> to vector<1x128xf32>
    %add3A_16 = vector.broadcast %broadcast_in_dim3A : vector<1x128xf32> to vector<128x128xf32>
    %add3A_17 = arith.addf %div3A_11, %add3A_16 : vector<128x128xf32>
    %get3A_18 = arith.constant 0 : index
    %get3A_19 = arith.constant 0 : index
    %get3A_20 = vector.load %arg5[%get3A_18, %get3A_19] : memref<1x128xf32, #tpu.memory_space<vmem>>, vector<1x128xf32>
    %get3A_21 = vector.shape_cast %get3A_20 : vector<1x128xf32> to vector<128xf32>
    %gt3A = arith.constant 0.000000e+00 : f32
    %gt3A_22 = vector.broadcast %gt3A : f32 to vector<128xf32>
    %gt3A_23 = arith.cmpf ogt, %get3A_21, %gt3A_22 : vector<128xf32>
    %max3A = arith.constant 0.000000e+00 : f32
    %max3A_24 = vector.broadcast %max3A : f32 to vector<128x128xf32>
    %max3A_25 = arith.maximumf %add3A_17, %max3A_24 : vector<128x128xf32>
    %broadcast_in_dim3A_26 = vector.shape_cast %gt3A_23 : vector<128xi1> to vector<1x128xi1>
    %broadcast_in_dim3A_27 = vector.broadcast %broadcast_in_dim3A_26 : vector<1x128xi1> to vector<128x128xi1>
    %select_n3A = arith.select %broadcast_in_dim3A_27, %max3A_25, %add3A_17 : vector<128x128xi1>, vector<128x128xf32>
    %get3A_28 = arith.constant 0 : index
    %get3A_29 = arith.constant 0 : index
    %get3A_30 = vector.load %arg6[%get3A_28, %get3A_29] : memref<128x128xf32, #tpu.memory_space<vmem>>, vector<128x128xf32>
    %dot_general3A = arith.constant dense<0.000000e+00> : vector<128x128xf32>
    %dot_general3A_31 = tpu.matmul %select_n3A, %get3A_30, %dot_general3A {dimension_numbers = #tpu.dot_dimension_numbers<[1], [0], [0], [1], [0, 0, 1, 1], [], []>, precision = #tpu.contract_precision<fp32>, transpose_lhs_hint = false} : vector<128x128xf32>, vector<128x128xf32>, vector<128x128xf32> -> vector<128x128xf32>
    %swap3A = arith.constant 0 : index
    %swap3A_32 = arith.constant 0 : index
    %swap3A_33 = vector.load %arg9[%swap3A, %swap3A_32] : memref<128x128xf32, #tpu.memory_space<vmem>>, vector<128x128xf32>
    tpu.vector_store %arg9[%swap3A, %swap3A_32], %dot_general3A_31 {strides = array<i32>} : memref<128x128xf32, #tpu.memory_space<vmem>>, vector<128x128xf32>,
    %get3A_34 = arith.constant 0 : index
    %get3A_35 = arith.constant 0 : index
    %get3A_36 = vector.load %arg7[%get3A_34, %get3A_35] : memref<1x128xf32, #tpu.memory_space<vmem>>, vector<1x128xf32>
    %get3A_37 = vector.shape_cast %get3A_36 : vector<1x128xf32> to vector<128xf32>
    %dot_general3A_38 = arith.constant dense<0.000000e+00> : vector<128xf32>
    %dot_general3A_39 = tpu.matmul %dot_general3A_31, %get3A_37, %dot_general3A_38 {dimension_numbers = #tpu.dot_dimension_numbers<[1], [0], [0], [], [0, 0], [], []>, precision = #tpu.contract_precision<fp32>, transpose_lhs_hint = false} : vector<128x128xf32>, vector<128xf32>, vector<128xf32> -> vector<128xf32>
    %swap3A_40 = arith.constant 0 : index
    %swap3A_41 = arith.constant 0 : index
    %swap3A_42 = arith.constant 0 : index
    %swap3A_43 = vector.load %arg10[%swap3A_40, %swap3A_41, %swap3A_42] : memref<1x1x128xf32, #tpu.memory_space<vmem>>, vector<1x1x128xf32>
    %swap3A_44 = vector.shape_cast %swap3A_43 : vector<1x1x128xf32> to vector<128xf32>
    %swap3A_45 = vector.shape_cast %dot_general3A_39 : vector<128xf32> to vector<1x1x128xf32>
    tpu.vector_store %arg10[%swap3A_40, %swap3A_41, %swap3A_42], %swap3A_45 {strides = array<i32>} : memref<1x1x128xf32, #tpu.memory_space<vmem>>, vector<1x1x128xf32>,
    %get3A_46 = arith.constant 0 : index
    %get3A_47 = arith.constant 0 : index
    %get3A_48 = vector.load %arg8[%get3A_46, %get3A_47] : memref<1x128xf32, #tpu.memory_space<vmem>>, vector<1x128xf32>
    %get3A_49 = vector.shape_cast %get3A_48 : vector<1x128xf32> to vector<128xf32>
    %dot_general3A_50 = arith.constant dense<0.000000e+00> : vector<128xf32>
    %dot_general3A_51 = tpu.matmul %dot_general3A_31, %get3A_49, %dot_general3A_50 {dimension_numbers = #tpu.dot_dimension_numbers<[1], [0], [0], [], [0, 0], [], []>, precision = #tpu.contract_precision<fp32>, transpose_lhs_hint = false} : vector<128x128xf32>, vector<128xf32>, vector<128xf32> -> vector<128xf32>
    %swap3A_52 = arith.constant 0 : index
    %swap3A_53 = arith.constant 0 : index
    %swap3A_54 = arith.constant 0 : index
    %swap3A_55 = vector.load %arg11[%swap3A_52, %swap3A_53, %swap3A_54] : memref<1x1x128xf32, #tpu.memory_space<vmem>>, vector<1x1x128xf32>
    %swap3A_56 = vector.shape_cast %swap3A_55 : vector<1x1x128xf32> to vector<128xf32>
    %swap3A_57 = vector.shape_cast %dot_general3A_51 : vector<128xf32> to vector<1x1x128xf32>
    tpu.vector_store %arg11[%swap3A_52, %swap3A_53, %swap3A_54], %swap3A_57 {strides = array<i32>} : memref<1x1x128xf32, #tpu.memory_space<vmem>>, vector<1x1x128xf32>,
    return
  }
  func.func @transform_0(%arg0: i32) -> (i32, i32) {
    %c0_i32 = arith.constant 0 : i32
    %c0_i32_0 = arith.constant 0 : i32
    return %arg0, %c0_i32 : i32, i32
  }
  func.func @transform_1(%arg0: i32) -> (i32, i32) {
    %c0_i32 = arith.constant 0 : i32
    %c0_i32_0 = arith.constant 0 : i32
    return %arg0, %c0_i32 : i32, i32
  }
  func.func @transform_2(%arg0: i32) -> (i32, i32) {
    %c0_i32 = arith.constant 0 : i32
    %c0_i32_0 = arith.constant 0 : i32
    return %arg0, %c0_i32 : i32, i32
  }
  func.func @transform_3(%arg0: i32) -> (i32, i32) {
    %c0_i32 = arith.constant 0 : i32
    %c0_i32_0 = arith.constant 0 : i32
    %c0_i32_1 = arith.constant 0 : i32
    return %c0_i32, %c0_i32_0 : i32, i32
  }
  func.func @transform_4(%arg0: i32) -> (i32, i32) {
    %c0_i32 = arith.constant 0 : i32
    %c0_i32_0 = arith.constant 0 : i32
    %c0_i32_1 = arith.constant 0 : i32
    return %c0_i32, %c0_i32_0 : i32, i32
  }
  func.func @transform_5(%arg0: i32) -> (i32, i32) {
    %c0_i32 = arith.constant 0 : i32
    %c0_i32_0 = arith.constant 0 : i32
    %c0_i32_1 = arith.constant 0 : i32
    return %c0_i32, %c0_i32_0 : i32, i32
  }
  func.func @transform_6(%arg0: i32) -> (i32, i32) {
    %c0_i32 = arith.constant 0 : i32
    %c0_i32_0 = arith.constant 0 : i32
    %c0_i32_1 = arith.constant 0 : i32
    return %c0_i32, %c0_i32_0 : i32, i32
  }
  func.func @transform_7(%arg0: i32) -> (i32, i32) {
    %c0_i32 = arith.constant 0 : i32
    %c0_i32_0 = arith.constant 0 : i32
    %c0_i32_1 = arith.constant 0 : i32
    return %c0_i32, %c0_i32_0 : i32, i32
  }
  func.func @transform_8(%arg0: i32) -> (i32, i32) {
    %c0_i32 = arith.constant 0 : i32
    %c0_i32_0 = arith.constant 0 : i32
    return %arg0, %c0_i32 : i32, i32
  }
  func.func @transform_9(%arg0: i32) -> (i32, i32, i32) {
    %c0_i32 = arith.constant 0 : i32
    %c0_i32_0 = arith.constant 0 : i32
    %c0_i32_1 = arith.constant 0 : i32
    return %arg0, %c0_i32, %c0_i32_0 : i32, i32, i32
  }
  func.func @transform_10(%arg0: i32) -> (i32, i32, i32) {
    %c0_i32 = arith.constant 0 : i32
    %c0_i32_0 = arith.constant 0 : i32
    %c0_i32_1 = arith.constant 0 : i32
    return %arg0, %c0_i32, %c0_i32_0 : i32, i32, i32
  }
}

module attributes {stable_mosaic.version = 14 : i64} {
  func.func @_tc_final_body(%arg0: memref<500x128xf32, #tpu.memory_space<vmem>>, %arg1: memref<500x1xf32, #tpu.memory_space<vmem>>, %arg2: memref<500x1xf32, #tpu.memory_space<vmem>>, %arg3: memref<1x128xf32, #tpu.memory_space<vmem>>, %arg4: memref<128x128xf32, #tpu.memory_space<vmem>>, %arg5: memref<1x1xf32, #tpu.memory_space<vmem>>, %arg6: memref<100x400xf32, #tpu.memory_space<vmem>>) attributes {dimension_semantics = [], scalar_prefetch = 0 : i64, scratch_operands = 0 : i64, tpu.core_type = #tpu.core_type<tc>} {
    %get3A = arith.constant 0 : index
    %get3A_0 = arith.constant 0 : index
    %get3A_1 = vector.load %arg1[%get3A, %get3A_0] : memref<500x1xf32, #tpu.memory_space<vmem>>, vector<500x1xf32>
    %get3A_2 = arith.constant 0 : index
    %get3A_3 = arith.constant 0 : index
    %get3A_4 = vector.load %arg2[%get3A_2, %get3A_3] : memref<500x1xf32, #tpu.memory_space<vmem>>, vector<500x1xf32>
    %add3A = arith.addf %get3A_1, %get3A_4 : vector<500x1xf32>
    %add3A_5 = arith.constant 1.000000e-10 : f32
    %add3A_6 = vector.broadcast %add3A_5 : f32 to vector<500x1xf32>
    %add3A_7 = arith.addf %add3A, %add3A_6 : vector<500x1xf32>
    %get3A_8 = arith.constant 0 : index
    %get3A_9 = arith.constant 0 : index
    %get3A_10 = vector.load %arg0[%get3A_8, %get3A_9] : memref<500x128xf32, #tpu.memory_space<vmem>>, vector<500x128xf32>
    %div3A = vector.broadcast %add3A_7 : vector<500x1xf32> to vector<500x128xf32>
    %div3A_11 = arith.divf %get3A_10, %div3A : vector<500x128xf32>
    %get3A_12 = arith.constant 0 : index
    %get3A_13 = arith.constant 0 : index
    %get3A_14 = vector.load %arg3[%get3A_12, %get3A_13] : memref<1x128xf32, #tpu.memory_space<vmem>>, vector<1x128xf32>
    %get3A_15 = vector.shape_cast %get3A_14 : vector<1x128xf32> to vector<128xf32>
    %broadcast_in_dim3A = vector.shape_cast %get3A_15 : vector<128xf32> to vector<1x128xf32>
    %add3A_16 = vector.broadcast %broadcast_in_dim3A : vector<1x128xf32> to vector<500x128xf32>
    %add3A_17 = arith.addf %div3A_11, %add3A_16 : vector<500x128xf32>
    %slice3A = vector.extract_strided_slice %add3A_17 {offsets = [0, 0], sizes = [100, 128], strides = [1, 1]} : vector<500x128xf32> to vector<100x128xf32>
    %slice3A_18 = vector.extract_strided_slice %add3A_17 {offsets = [100, 0], sizes = [400, 128], strides = [1, 1]} : vector<500x128xf32> to vector<400x128xf32>
    %get3A_19 = arith.constant 0 : index
    %get3A_20 = arith.constant 0 : index
    %get3A_21 = vector.load %arg4[%get3A_19, %get3A_20] : memref<128x128xf32, #tpu.memory_space<vmem>>, vector<128x128xf32>
    %dot_general3A = arith.constant dense<0.000000e+00> : vector<100x128xf32>
    %dot_general3A_22 = tpu.matmul %slice3A, %get3A_21, %dot_general3A {dimension_numbers = #tpu.dot_dimension_numbers<[1], [0], [0], [1], [0, 0, 1, 1], [], []>, precision = #tpu.contract_precision<fp32>, transpose_lhs_hint = false} : vector<100x128xf32>, vector<128x128xf32>, vector<100x128xf32> -> vector<100x128xf32>
    %dot_general3A_23 = arith.constant dense<0.000000e+00> : vector<100x400xf32>
    %dot_general3A_24 = tpu.matmul %dot_general3A_22, %slice3A_18, %dot_general3A_23 {dimension_numbers = #tpu.dot_dimension_numbers<[1], [1], [0], [0], [0, 0, 1, 0], [], []>, precision = #tpu.contract_precision<fp32>, transpose_lhs_hint = false} : vector<100x128xf32>, vector<400x128xf32>, vector<100x400xf32> -> vector<100x400xf32>
    %get3A_25 = arith.constant 0 : index
    %get3A_26 = arith.constant 0 : index
    %get3A_27 = vector.load %arg5[%get3A_25, %get3A_26] : memref<1x1xf32, #tpu.memory_space<vmem>>, vector<1x1xf32>
    %get3A_28 = vector.extract %get3A_27[0, 0] : f32 from vector<1x1xf32>
    %add3A_29 = vector.broadcast %get3A_28 : f32 to vector<100x400xf32>
    %add3A_30 = arith.addf %dot_general3A_24, %add3A_29 : vector<100x400xf32>
    %swap3A = arith.constant 0 : index
    %swap3A_31 = arith.constant 0 : index
    %swap3A_32 = vector.load %arg6[%swap3A, %swap3A_31] : memref<100x400xf32, #tpu.memory_space<vmem>>, vector<100x400xf32>
    tpu.vector_store %arg6[%swap3A, %swap3A_31], %add3A_30 {strides = array<i32>} : memref<100x400xf32, #tpu.memory_space<vmem>>, vector<100x400xf32>,
    return
  }
}

</mosaic_0001>

<sc_bundles>
// kernel: closed_call.12.cloned.1.call-start
scs
__scs_entry_jumppad:
0x0: {  	(pc) =	sbr.rel $0x88, $3  }
0x1: {  	(tag) =	ssettag $0x0;
	lr =	simm.s32 $0x1  }
0x2: {  	[smem:$0x3F91] =	sst lr;
	_ =	strace $0xD0000000  }
0x3: {  	_ = 	snop  }
0x4: {  	_ = 	snop  }
0x5: {  	_ = 	snop  }
0x6: {  	_ = 	snop  }
0x7: {  	_ = 	snop  }
__scs_overlays_trampoline_lowered:
0x8: {  	[smem:$0x3FA0] =	sst s0  }
0x9: {  	[smem:$0x3FA1] =	sst s1  }
0xa: {  	[smem:$0x3FA2] =	sst s2  }
0xb: {  	[smem:$0x3FA3] =	sst s3  }
0xc: {  	[smem:$0x3FA4] =	sst s4  }
0xd: {  	[smem:$0x3FA5] =	sst s5  }
0xe: {  	[smem:$0x3FA6] =	sst s6  }
0xf: {  	[smem:$0x3FA7] =	sst s7  }
0x10: {  	[smem:$0x3FA8] =	sst s8  }
0x11: {  	[smem:$0x3FA9] =	sst s9;
	s0 =	simm.s32 @!p0 $0x0  }
0x12: {  	s1 =	sld [smem:$0x3F8F];
	s0 =	simm.s32 @p0 $0x1  }
0x13: {  	[smem:$0x3FAA] =	sst s0;
	s0 =	simm.s32 @!p1 $0x0  }
0x14: {  	s2 =	sld [smem:$0x3F8E];
	s0 =	simm.s32 @p1 $0x1  }
0x15: {  	[smem:$0x3FAB] =	sst s0;
	s0 =	simm.s32 @!p2 $0x0  }
0x16: {  	s3 =	sld [smem:$0x3FDB];
	s0 =	simm.s32 @p2 $0x1  }
0x17: {  	s4 =	simm.s32 $0x1BF5;
	[smem:$0x3FAD] =	sst s0  }
0x18: {  	s0 =	sld [smem:$0x3F90];
	_ =	swait.ge [sflag:s4], $0x0  }
0x19: {  	s7 =	sld [smem:$0x3F91]  }
0x1a: {  	s8 =	sadd.s32 $0xFFFFE003, lr  }
0x1b: {  	s9 =	sadd.s32 $0xFFFFFEF7, lr;
	s5 =	simm.s32 $0xFFFFFFFF;
	p2 =	slt.u32 s8, $0xFFFFF086  }
0x1c: {  	p1 =	slt.u32 s9, $0xF7A;
	s5 =	simm.s32 @!p2 $0x0  }
0x1d: {  	s5 =	simm.s32 @p1 $0x1;
	p0 =	seq.s32 s7, s2  }
0x1e: {  	s7 =	smul.u32 @!p0 $0xF7A, s2;
	p2 =	seq.s32 @!p0 s5, $0x0  }
0x1f: {  	s9 =	smul.u32 $0xF7A, s1;
	s8 =	simm.s32 @!p0 $0x1BF5;
	p2 =	por !p2, p0  }
0x20: {  	[sflag:s8] =	ssyncset.s32 @!p0 $0xFFFFF086;
	s6 =	sadd.s32 @!p0 s3, s7;
	s7 =	simm.s32 @!p0 $0x108  }
0x21: {  	s3 =	sadd.s32 s3, s9;
	s6 =	sadd.s32 @!p0 $0x88, s6;
	s7 =	simm.s32 @p2 $0x1082  }
0x22: {  	[simem:s7], [sflag:s8] =	dma.local @!p0 [hbm:s6], $0xF7A  }
0x23: {  	s9 =	sor.u32 $0xD0000000, s2;
	s6 =	simm.s32 $0x108;
	_ =	swait.ge @!p0 [sflag:s8], $0x0  }
0x24: {  	s3 =	sadd.s32 $0x88, s3;
	s6 =	simm.s32 @!p1 $0x1082;
	[sflag:s4] =	ssyncset.s32 $0xFFFFF086  }
0x25: {  	[simem:s6], [sflag:s4] =	dma.local [hbm:s3], $0xF7A  }
0x26: {  	[smem:$0x3F91] =	sst s1;
	(tag) =	ssettag s2;
	_ =	strace s9  }
0x27: {  	s1 =	sld [smem:$0x3FA1]  }
0x28: {  	s2 =	sld [smem:$0x3FA2]  }
0x29: {  	s4 =	sld [smem:$0x3FA4]  }
0x2a: {  	p0 =	seq.s32 s5, $0x0;
	s5 =	sld [smem:$0x3FA5]  }
0x2b: {  	s6 =	sld [smem:$0x3FA6]  }
0x2c: {  	s7 =	sld [smem:$0x3FA7]  }
0x2d: {  	s3 =	simm.s32 $0x108;
	s8 =	sld [smem:$0x3FA8]  }
0x2e: {  	s3 =	simm.s32 @!p0 $0x1082;
	s9 =	sld [smem:$0x3FA9]  }
0x2f: {  	lr =	sadd.s32 s0, s3;
	s0 =	sld [smem:$0x3FA0]  }
0x30: {  	s3 =	sld [smem:$0x3FA3]  }
0x31: {  	[smem:$0x3FAC] =	sst s10  }
0x32: {  	s10 =	sld [smem:$0x3FAA];
	_ =	sdelay $0x3  }
0x33: {  	p0 =	seq.s32 s10, $0x1;
	s10 =	sld [smem:$0x3FAC];
	_ =	sdelay $0x3  }
0x34: {  	[smem:$0x3FAC] =	sst s10  }
0x35: {  	s10 =	sld [smem:$0x3FAB];
	_ =	sdelay $0x3  }
0x36: {  	p1 =	seq.s32 s10, $0x1;
	s10 =	sld [smem:$0x3FAC];
	_ =	sdelay $0x3  }
0x37: {  	[smem:$0x3FAC] =	sst s10  }
0x38: {  	s10 =	sld [smem:$0x3FAD]  }
0x39: {  	_ = 	snop;
	(pc) =	sbr.ind lr, $3  }
0x3a: {  	_ = 	snop  }
0x3b: {  	_ = 	snop  }
0x3c: {  	p2 =	seq.s32 s10, $0x1;
	s10 =	sld [smem:$0x3FAC]  }
0x3d: {  	_ =	shalt  }
0x3e: {  	_ =	shalt  }
0x3f: {  	_ =	shalt  }
0x40: {  	_ =	shalt  }
0x41: {  	_ =	shalt  }
0x42: {  	_ =	shalt  }
0x43: {  	_ =	shalt  }
0x44: {  	_ =	shalt  }
0x45: {  	_ =	shalt  }
0x46: {  	_ =	shalt  }
0x47: {  	_ =	shalt  }
0x48: {  	_ =	shalt  }
0x49: {  	_ =	shalt  }
0x4a: {  	_ =	shalt  }
0x4b: {  	_ =	shalt  }
0x4c: {  	_ =	shalt  }
0x4d: {  	_ =	shalt  }
0x4e: {  	_ =	shalt  }
0x4f: {  	_ =	shalt  }
0x50: {  	_ =	shalt  }
0x51: {  	_ =	shalt  }
0x52: {  	_ =	shalt  }
0x53: {  	_ =	shalt  }
0x54: {  	_ =	shalt  }
0x55: {  	_ =	shalt  }
0x56: {  	_ =	shalt  }
0x57: {  	_ =	shalt  }
0x58: {  	_ =	shalt  }
0x59: {  	_ =	shalt  }
0x5a: {  	_ =	shalt  }
0x5b: {  	_ =	shalt  }
0x5c: {  	_ =	shalt  }
0x5d: {  	_ =	shalt  }
0x5e: {  	_ =	shalt  }
0x5f: {  	_ =	shalt  }
0x60: {  	_ =	shalt  }
0x61: {  	_ =	shalt  }
0x62: {  	_ =	shalt  }
0x63: {  	_ =	shalt  }
0x64: {  	_ =	shalt  }
0x65: {  	_ =	shalt  }
0x66: {  	_ =	shalt  }
0x67: {  	_ =	shalt  }
0x68: {  	_ =	shalt  }
0x69: {  	_ =	shalt  }
0x6a: {  	_ =	shalt  }
0x6b: {  	_ =	shalt  }
0x6c: {  	_ =	shalt  }
0x6d: {  	_ =	shalt  }
0x6e: {  	_ =	shalt  }
0x6f: {  	_ =	shalt  }
0x70: {  	_ =	shalt  }
0x71: {  	_ =	shalt  }
0x72: {  	_ =	shalt  }
0x73: {  	_ =	shalt  }
0x74: {  	_ =	shalt  }
0x75: {  	_ =	shalt  }
0x76: {  	_ =	shalt  }
0x77: {  	_ =	shalt  }
0x78: {  	_ =	shalt  }
0x79: {  	_ =	shalt  }
0x7a: {  	_ =	shalt  }
0x7b: {  	_ =	shalt  }
0x7c: {  	_ =	shalt  }
0x7d: {  	_ =	shalt  }
0x7e: {  	_ =	shalt  }
0x7f: {  	_ =	shalt  }
0x80: {  	_ =	shalt  }
0x81: {  	_ =	shalt  }
0x82: {  	_ =	shalt  }
0x83: {  	_ =	shalt  }
0x84: {  	_ =	shalt  }
0x85: {  	_ =	shalt  }
0x86: {  	_ =	shalt  }
0x87: {  	_ =	shalt  }
.Lfunc_end0:
.L_simem_size_0:
called_computation_lowered:
.L_overlay_start_0:
0x88: {  	s2 =	sld [smem:$0x3FD9]  }
0x89: {  	s3 =	sld [smem:$0x3FFE];
	_ =	sdelay $0x1  }
0x8a: {  	s1 =	srdreg.scid  }
0x8b: {  	s0 =	sand.u32 $0x1, s1  }
0x8c: {  	s17 =	sshll.u32 s0, $0xA;
	s2 =	sadd.s32 s3, s2  }
0x8d: {  	s2 =	sadd.s32 s2, s17  }
0x8e: {  	[smem:$0x3FB8] =	sst s2  }
0x8f: {  	_ = 	snop  }
0x90: {  	s2 =	sld [smem:$0x3FD0];
	(tm) =	ssettm $0x1  }
0x91: {  	s18 =	sld [smem:$0x3FFB];
	_ =	sdelay $0x3  }
0x92: {  	_ =	strace s18  }
0x93: {  	s3 =	sld [smem:$0x3FFC];
	_ =	sdelay $0x3  }
0x94: {  	_ =	strace s3  }
0x95: {  	s3 =	sld [smem:$0x3FFD];
	_ =	sdelay $0x3  }
0x96: {  	_ =	strace s3  }
0x97: {  	_ =	strace $0x8FFFFFFF  }
0x98: {  	s19 =	sld [smem:$0x3FDB];
	_ =	sdelay $0x1  }
0x99: {  	s4 =	simm.s32 $_scs_section_size  }
0x9a: {  	s5 =	simm.s32 $_size__tile_overlayer_lowered;
	s6 =	simm.s32 $_tile_overlayer_lowered  }
0x9b: {  	s22 =	simm.s32 $0x1BFF;
	s21 =	sshll.u32 s6, $0x1;
	s3 =	sadd.s32 s4, s19  }
0x9c: {  	s7 =	simm.s32 $0x0;
	s20 =	sshll.u32 s5, $0x1;
	s5 =	sadd.s32 s21, s3  }
0x9d: {  	[timem:s7], [sflag:s22] =	dma.local [hbm:s5], s20  }
0x9e: {  	_ =	swait.ge [sflag:s22], s20  }
0x9f: {  	s4 =	ssub.s32 $0x0, s20;
	[sflag:s22] =	ssyncset.done $0x0  }
0xa0: {  	[sflag:s22] =	ssyncadd.s32 s4;
	_ =	sdelay $0x1  }
0xa1: {  	s23 =	simm.s32 $0x1B8B  }
0xa2: {  	_ =	swait.ge [sflag:s23], $0x1  }
0xa3: {  	[sflag:s23] =	ssyncset.done $0x0  }
0xa4: {  	s25 =	simm.s32 $0x1B8E;
	s24 =	sld [smem:$0x3FFE];
	[sflag:s23] =	ssyncadd.s32 $0xFFFFFFFF  }
0xa5: {  	s26 =	simm.s32 $execute0_lowered;
	[smem:$0x3FD2] =	sst s25  }
0xa6: {  	s5 =	sshll.u32 s26, $0x1;
	_ =	strace $0x80000046;
	[dreg:$0x1] =	wrdreg $0xFFFFFFFF  }
0xa7: {  	s28 =	simm.s32 $_size_execute0_lowered;
	s3 =	sadd.s32 s3, s5;
	[dreg:$0x0] =	wrdreg $0x0  }
0xa8: {  	s5 =	sshll.u32 s28, $0x1;
	[dreg:$0x2] =	wrdreg s3  }
0xa9: {  	[dreg:$0x3] =	wrdreg s5  }
0xaa: {  	[dreg:$0x4] =	wrdreg $0xC0  }
0xab: {  	_ =	task [dreg:s7], $0x5FFFF  }
0xac: {  	[dreg:$0x1] =	wrdreg $0xFFFFFFFF  }
0xad: {  	[dreg:$0x0] =	wrdreg $0x60  }
0xae: {  	[dreg:$0x2] =	wrdreg s24  }
0xaf: {  	[dreg:$0x3] =	wrdreg s2  }
0xb0: {  	[dreg:$0x4] =	wrdreg $0x159800  }
0xb1: {  	[dreg:$0x5] =	wrdreg $0x9  }
0xb2: {  	_ =	task.clear_ibuf [dreg:s7], $0x6FFFF;
	_ =	strace $0x90000046  }
0xb3: {  	s29 =	simm.s32 $0x9;
	_ =	strace $0x80000048  }
0xb4: {  	_ =	swait.ge [sflag:s29], $0x1  }
0xb5: {  	[sflag:s29] =	ssyncadd.s32 $0xFFFFFFFF  }
0xb6: {  	_ =	strace $0x90000048  }
0xb7: {  	_ =	sfence  }
0xb8: {  	s30 =	sld [smem:$0x0];
	_ =	sdelay $0x2  }
0xb9: {  	s31 =	sshll.u32 s1, $0xD;
	s1 =	sshrl.u32 s1, $0x2  }
0xba: {  	s3 =	sand.u32 $0x4000, s31;
	s1 =	sadd.s32 s1, s30  }
0xbb: {  	s0 =	sor.u32 s3, s0;
	s1 =	sshll.u32 s1, $0x11  }
0xbc: {  	s0 =	sor.u32 s1, s0  }
0xbd: {  	s0 =	sadd.s32 $0x8F2B, s0  }
0xbe: {  	[sflag:s0] =	ssyncadd.remote.s32 $0x1  }
0xbf: {  	_ =	sfence.sel $0xFFFF  }
0xc0: {  	[dreg:$0x0] =	wrdreg $0xFFFFFFFF;
	(pc) =	sbr.abs _section_cstart, $3  }
0xc1: {  	[dreg:$0x1] =	wrdreg $0xFFFFFFFF  }
0xc2: {  	_ =	task.clear_ibuf [dreg:s7], $0x2FFFF;
	_ =	strace $0x9FFFFFFF  }
0xc3: {  	(tm) =	ssettm $0x7FFFFFFF  }
tec
execute0_lowered:
.L_overlay_start_1:
0x0: {  	(tag) =	ssettag $0x1  }
0x1: {  	s0 =	rddreg [dreg:$0x0]  }
0x2: {  	s1 =	rddreg [dreg:$0x1]  }
0x3: {  	s2 =	rddreg [dreg:$0x2];
	s4 =	simm.s32 $0x0;
	s16 =	stileid.u32  }
0x4: {  	s3 =	srdreg.scid;
	s17 =	simm.s32 $0x13180;
	s8 =	smul.u32 $0xA00, s16  }
0x5: {  	s20 =	simm.s32 $0x40;
	s25 =	simm.s32 $0x13080;
	s14 =	smul.u32 $0x28000, s16  }
0x6: {  	s26 =	simm.s32 $0x4;
	s28 =	simm.s32 $0x0;
	s21 =	smul.u32 $0x500, s16  }
0x7: {  	[smem:$0x7FF] =	sst s4;
	s3 =	sand.u32 $0x1, s3;
	s24 =	smul.u32 $0x1400, s16  }
0x8: {  	s5 =	sadd.s32 $0x3F000, s0;
	s6 =	sadd.s32 $0x67600, s0;
	s9 =	smul.u32 $0x14000, s3  }
0x9: {  	s7 =	sadd.s32 $0x67000, s0;
	s18 =	sshll.u32 s16, $0x6;
	s11 =	smul.u32 $0x5000, s3  }
0xa: {  	_ =	strace $0x80000047;
	s12 =	ssub.s32 $0x2, s3;
	s3 =	smul.u32 $0xFFFFEC00, s3  }
0xb: {  	s18 =	sor.u32 $0x1C05, s18;
	s10 =	sadd.s32 s8, s0;
	s8 =	sadd.s32 $0x67C00, s0  }
0xc: {  	s13 =	sshrl.u32 s12, $0x1;
	s31 =	sshrl.u32 s14, $0x2;
	s15 =	sadd.s32 s9, s0  }
0xd: {  	s0 =	sadd.s32 s11, s0;
	s30 =	ssub.s32 s12, s13;
	s9 =	sadd.s32 $0x35000, s10  }
0xe: {  	s10 =	sadd.s32 $0x2B000, s10;
	s14 =	sadd.s32 s31, s2;
	s12 =	simm.s32 $0x5  }
0xf: {  	s13 =	simm.s32 $0x2800;
	s0 =	sadd.s32 $0x67E00, s0;
	s23 =	sadd.s32 $0x3000, s15  }
0x10: {  	s11 =	smax.u32 s30, $0x1;
	s15 =	simm.s32 $0xA000;
	s19 =	sshrl.u32 s14, $0x3  }
0x11: {  	v0 =	vmov s3;
	s21 =	sadd.s32 s21, s0;
	s23 =	sadd.s32 s24, s23;
	s24 =	simm.s32 $0x1  }
.LBB2_1:
0x12: {  	[tilespmem:s4], [sflag:$0x5] =	stream.linear.gather [hbm4b:s6+s4], $0x2800, $0x38;
	[tilespmem:$0x1F980] =	vst v63  }
0x13: {  	_ =	swait.ge [sflag:s12], $0x2800  }
0x14: {  	[sflag:s12] =	ssyncset.done $0x0  }
0x15: {  	[sflag:s12] =	ssyncadd.s32 $0xFFFFD800  }
0x16: {  	[tilespmem:s13], [sflag:$0x5] =	stream.linear.gather [hbm4b:s7+s4], $0x2800, $0x38;
	[tilespmem:$0x1F980] =	vst v63  }
0x17: {  	_ =	swait.ge [sflag:s12], $0x2800  }
0x18: {  	[sflag:s12] =	ssyncset.done $0x0  }
0x19: {  	s0 =	simm.s32 $0x5000;
	[sflag:s12] =	ssyncadd.s32 $0xFFFFD800  }
0x1a: {  	[tilespmem:s0], [sflag:$0x5] =	stream.linear.gather [hbm4b:s9+s4], $0x4F00, $0x38;
	[tilespmem:$0x1F980] =	vst v63  }
0x1b: {  	_ =	swait.ge [sflag:s12], $0x4F00  }
0x1c: {  	[sflag:s12] =	ssyncset.done $0x0  }
0x1d: {  	[sflag:s12] =	ssyncadd.s32 $0xFFFFB100  }
0x1e: {  	[tilespmem:s15], [sflag:$0x5] =	stream.linear.gather [hbm4b:s10+s4], $0x4F00, $0x38;
	[tilespmem:$0x1F980] =	vst v63  }
0x1f: {  	_ =	swait.ge [sflag:s12], $0x4F00  }
0x20: {  	[sflag:s12] =	ssyncset.done $0x0  }
0x21: {  	s30 =	simm.s32 $0x13100;
	[sflag:s12] =	ssyncadd.s32 $0xFFFFB100  }
0x22: {  	[tilespmem:s30], [sflag:$0x5] =	stream.linear.gather [hbm4b:s8+s4], $0x80, $0x38;
	[tilespmem:$0x1F980] =	vst v63  }
0x23: {  	_ =	swait.ge [sflag:s12], $0x80  }
0x24: {  	[sflag:s12] =	ssyncset.done $0x0  }
0x25: {  	[sflag:s12] =	ssyncadd.s32 $0xFFFFFF80  }
0x26: {  	[tilespmem:s17], [sflag:$0x5] =	stream.linear.gather [hbm4b:s1+s4], $0x2800, $0x38;
	[tilespmem:$0x1F980] =	vst v63  }
0x27: {  	_ =	swait.ge [sflag:s12], $0x2800  }
0x28: {  	[sflag:s12] =	ssyncset.done $0x0  }
0x29: {  	[sflag:s12] =	ssyncadd.s32 $0xFFFFD800  }
0x2a: {  	[spmem:s19], [sflag:s18] =	dma.local [hbm:s1], $0x1400  }
0x2b: {  	_ =	swait.ge [sflag:s12], $0x1400  }
0x2c: {  	[sflag:s12] =	ssyncset.done $0x0  }
0x2d: {  	s31 =	simm.s32 $0xF080;
	[sflag:s12] =	ssyncadd.s32 $0xFFFFEC00  }
0x2e: {  	p0 =	por $0x0, $0x0;
	s0 =	simm.s32 $0x0;
	[bflag:$0x0] =	sbarrier.arrive $0xFFFF  }
0x2f: {  	v1 =	vld [tilespmem:$0x13100];
	[tilespmem:s31], [sflag:$0x1] =	stream.indirect.gather [hbm4b:s5+s20], $0x80, s15, s20, $0xb8  }
.LBB2_2:
0x30: {  	s29 =	sand.u32 $0x1, s0;
	s22 =	sshll.u32 s0, $0x6  }
0x31: {  	s31 =	smov.u32 s0;
	s30 =	sshll.u32 s29, $0x6;
	s0 =	sand.u32 $0x7F80, s22  }
0x32: {  	s0 =	sor.u32 s0, s30  }
0x33: {  	v2 =	vld [tilespmem:s0+$0x5000]  }
0x34: {  	v3 =	vld [tilespmem:s0+$0xA000];
	_ =	sdelay $0x6  }
0x35: {  	v4 =	vld.idx.msk [tilespmem:v2+s4+$0x0], $0xffff  }
0x36: {  	v3 =	vld.idx.msk [tilespmem:v3+s13+$0x0], $0xffff;
	_ =	sdelay $0x3  }
0x37: {  	v5 =	vadd.f32 v4, v1  }
0x38: {  	v3 =	vadd.f32 v3, v4  }
0x39: {  	v4 =	vmul.f32 $2.000000030e-01, v5  }
0x3a: {  	v6 =	vmul.f32 $2.000000030e-01, v3  }
0x3b: {  	v4 =	vmax.f32 v5, v4  }
0x3c: {  	v3 =	vmax.f32 v3, v6;
	v4 =	vmax.f32 v4, $0.0e+00  }
0x3d: {  	v3 =	vsub.f32 v3, v4;
	_ =	sdelay $0x1  }
0x3e: {  	v3 =	vmul.f32 $1.442695020e+00, v3;
	_ =	sdelay $0x1  }
0x3f: {  	(erf) = vpow2.f32 v3;
	_ =	sdelay $0x7  }
0x40: {  	v3 =	vadd.s32 v0, v2  }
0x41: {  	vm0 =	vlt.u32 v3, $0x1400;
	v4 =	vpop (erf)  }
0x42: {  	v4 =	vnsel vm0, $0x0, v4  }
0x43: {  	v3 =	vnsel vm0, $0x0, v3;
	[tilespmem:$0x13080] =	vst v4  }
0x44: {  	[tilespmem:s30+$0xF000] =	vst v3  }
0x45: {  	[tilespmem:v2+s17+$0x0] =	vst.idx.add.f32.msk $0xffff, v4  }
0x46: {  	v2 =	vld [tilespmem:s0+$0x5010]  }
0x47: {  	v3 =	vld [tilespmem:s0+$0xA010];
	_ =	sdelay $0x6  }
0x48: {  	v4 =	vld.idx.msk [tilespmem:v2+s4+$0x0], $0xffff  }
0x49: {  	v3 =	vld.idx.msk [tilespmem:v3+s13+$0x0], $0xffff;
	_ =	sdelay $0x3  }
0x4a: {  	v5 =	vadd.f32 v4, v1  }
0x4b: {  	v3 =	vadd.f32 v3, v4  }
0x4c: {  	v4 =	vmul.f32 $2.000000030e-01, v5  }
0x4d: {  	v6 =	vmul.f32 $2.000000030e-01, v3  }
0x4e: {  	v4 =	vmax.f32 v5, v4  }
0x4f: {  	v3 =	vmax.f32 v3, v6;
	v4 =	vmax.f32 v4, $0.0e+00  }
0x50: {  	v3 =	vsub.f32 v3, v4;
	_ =	sdelay $0x1  }
0x51: {  	v3 =	vmul.f32 $1.442695020e+00, v3;
	_ =	sdelay $0x1  }
0x52: {  	(erf) = vpow2.f32 v3;
	_ =	sdelay $0x7  }
0x53: {  	v3 =	vadd.s32 v0, v2  }
0x54: {  	vm13 =	vlt.u32 v3, $0x1400;
	v4 =	vpop (erf)  }
0x55: {  	v4 =	vnsel vm13, $0x0, v4  }
0x56: {  	v3 =	vnsel vm13, $0x0, v3;
	[tilespmem:$0x13090] =	vst v4  }
0x57: {  	[tilespmem:s30+$0xF010] =	vst v3  }
0x58: {  	[tilespmem:v2+s17+$0x0] =	vst.idx.add.f32.msk $0xffff, v4  }
0x59: {  	v2 =	vld [tilespmem:s0+$0x5020]  }
0x5a: {  	v3 =	vld [tilespmem:s0+$0xA020];
	_ =	sdelay $0x6  }
0x5b: {  	v4 =	vld.idx.msk [tilespmem:v2+s4+$0x0], $0xffff  }
0x5c: {  	v3 =	vld.idx.msk [tilespmem:v3+s13+$0x0], $0xffff;
	_ =	sdelay $0x3  }
0x5d: {  	v5 =	vadd.f32 v4, v1  }
0x5e: {  	v3 =	vadd.f32 v3, v4  }
0x5f: {  	v4 =	vmul.f32 $2.000000030e-01, v5  }
0x60: {  	v6 =	vmul.f32 $2.000000030e-01, v3  }
0x61: {  	v4 =	vmax.f32 v5, v4  }
0x62: {  	v3 =	vmax.f32 v3, v6;
	v4 =	vmax.f32 v4, $0.0e+00  }
0x63: {  	v3 =	vsub.f32 v3, v4;
	_ =	sdelay $0x1  }
0x64: {  	v3 =	vmul.f32 $1.442695020e+00, v3;
	_ =	sdelay $0x1  }
0x65: {  	(erf) = vpow2.f32 v3;
	_ =	sdelay $0x7  }
0x66: {  	v3 =	vadd.s32 v0, v2  }
0x67: {  	vm14 =	vlt.u32 v3, $0x1400;
	v4 =	vpop (erf)  }
0x68: {  	v4 =	vnsel vm14, $0x0, v4  }
0x69: {  	v3 =	vnsel vm14, $0x0, v3;
	[tilespmem:$0x130A0] =	vst v4  }
0x6a: {  	[tilespmem:s30+$0xF020] =	vst v3  }
0x6b: {  	[tilespmem:v2+s17+$0x0] =	vst.idx.add.f32.msk $0xffff, v4  }
0x6c: {  	v2 =	vld [tilespmem:s0+$0x5030]  }
0x6d: {  	v3 =	vld [tilespmem:s0+$0xA030];
	_ =	sdelay $0x6  }
0x6e: {  	v4 =	vld.idx.msk [tilespmem:v2+s4+$0x0], $0xffff  }
0x6f: {  	v3 =	vld.idx.msk [tilespmem:v3+s13+$0x0], $0xffff;
	_ =	sdelay $0x3  }
0x70: {  	v5 =	vadd.f32 v4, v1  }
0x71: {  	v3 =	vadd.f32 v3, v4  }
0x72: {  	v4 =	vmul.f32 $2.000000030e-01, v5  }
0x73: {  	v6 =	vmul.f32 $2.000000030e-01, v3  }
0x74: {  	v4 =	vmax.f32 v5, v4  }
0x75: {  	v3 =	vmax.f32 v3, v6;
	v4 =	vmax.f32 v4, $0.0e+00  }
0x76: {  	v3 =	vsub.f32 v3, v4;
	_ =	sdelay $0x1  }
0x77: {  	v3 =	vmul.f32 $1.442695020e+00, v3;
	_ =	sdelay $0x1  }
0x78: {  	(erf) = vpow2.f32 v3;
	_ =	sdelay $0x7  }
0x79: {  	v3 =	vadd.s32 v0, v2  }
0x7a: {  	vm15 =	vlt.u32 v3, $0x1400;
	v4 =	vpop (erf)  }
0x7b: {  	v4 =	vnsel vm15, $0x0, v4  }
0x7c: {  	v3 =	vnsel vm15, $0x0, v3;
	[tilespmem:$0x130B0] =	vst v4  }
0x7d: {  	[tilespmem:s30+$0xF030] =	vst v3  }
0x7e: {  	s14 =	sadd.s32 $0x1, s29;
	[tilespmem:v2+s17+$0x0] =	vst.idx.add.f32.msk $0xffff, v4  }
0x7f: {  	p1 =	seq.s32 s31, $0x0;
	s0 =	sadd.s32 $0x1, s31;
	_ =	swait.ge [sflag:s14], $0x2000  }
0x80: {  	s3 =	simm.s32 $0x1;
	s31 =	sand.u32 @!p1 $0x1, s0;
	[sflag:s14] =	ssyncset.done $0x0  }
0x81: {  	s3 =	simm.s32 @!p0 $0x0;
	s16 =	sadd.s32 @!p1 $0x3, s31;
	[sflag:s14] =	ssyncadd.s32 $0xFFFFE000  }
0x82: {  	s3 =	sshll.u32 s3, $0xD;
	s22 =	sshll.u32 s0, $0x6;
	_ =	swait.ge @!p1 [sflag:s16], $0x2000  }
0x83: {  	s31 =	simm.s32 @p1 $0x1;
	s14 =	sadd.s32 $0xF0C0, s3;
	[sflag:s16] =	ssyncset.done @!p1 $0x0  }
0x84: {  	s3 =	sxor.u32 $0x40, s30;
	[sflag:s16] =	ssyncadd.s32 @!p1 $0xFFFFE000;
	s16 =	sand.u32 $0xFF80, s22  }
0x85: {  	s22 =	sshll.u32 s3, $0x7;
	s3 =	sor.u32 s3, s16;
	s16 =	simm.s32 $0x0  }
0x86: {  	s31 =	sadd.s32 $0x1, s31;
	s22 =	sadd.s32 $0xF080, s22;
	s3 =	sadd.s32 $0xA000, s3;
	v2 =	vmov s16  }
0x87: {  	[tilespmem:s22], [sflag:s31] =	stream.indirect.gather [hbm4b:s5+s20], $0x80, s3, s20, $0xb8;
	[tilespmem:$0x1F980] =	vst v63  }
0x88: {  	v6 =	vld [tilespmem:s14+$0x30]  }
0x89: {  	v9 =	vld [tilespmem:s14+$0x10]  }
0x8a: {  	v7 =	vld [tilespmem:s14+$0xFFFFFFC0]  }
0x8b: {  	v3 =	vld.idx.msk [tilespmem:v2+s25+$0x0], $0xffff  }
0x8c: {  	v11 =	vld [tilespmem:s14+$0xFFFFFFE0]  }
0x8d: {  	v4 =	vld [tilespmem:s14+$0x20]  }
0x8e: {  	v5 =	vld [tilespmem:s14+$0xFFFFFFD0]  }
0x8f: {  	v2 =	vld [tilespmem:s14+$0xFFFFFFF0]  }
0x90: {  	v10 =	vmul.f32 v6, v3;
	v6 =	vld [tilespmem:s14+$0x0]  }
0x91: {  	v8 =	vmul.f32 v7, v3  }
0x92: {  	s30 =	sor.u32 $0xF000, s30;
	s3 =	simm.s32 $0x1;
	s31 =	smov.u32 s14;
	v7 =	vmul.f32 v11, v3;
	v9 =	vmul.f32 v9, v3  }
.LBB2_3:
0x93: {  	p1 =	sne.s32 s3, $0x3F  }
0x94: {  	v5 =	vmul.f32 v5, v3;
	v4 =	vmul.f32 v4, v3;
	[tilespmem:s14+$0x30] =	vst v10;
	s31 =	sadd.s32 $0x80, s31;
	s16 =	smov.u32 s3;
	s3 =	sadd.s32 $0x1, s3  }
0x95: {  	[tilespmem:s14+$0xFFFFFFC0] =	vst v8;
	v8 =	vmul.f32 v2, v3;
	v3 =	vmul.f32 v6, v3  }
0x96: {  	[tilespmem:s14+$0x10] =	vst v9  }
0x97: {  	v6 =	vmov s16;
	[tilespmem:s14+$0xFFFFFFE0] =	vst v7  }
0x98: {  	v2 =	vld [tilespmem:s31+$0xFFFFFFF0];
	[tilespmem:s14+$0xFFFFFFF0] =	vst v8  }
0x99: {  	v7 =	vld [tilespmem:s31+$0x30];
	[tilespmem:s14+$0x0] =	vst v3  }
0x9a: {  	v9 =	vld [tilespmem:s31+$0x10];
	[tilespmem:s14+$0x20] =	vst v4  }
0x9b: {  	v8 =	vld [tilespmem:s31+$0xFFFFFFC0];
	[tilespmem:s14+$0xFFFFFFD0] =	vst v5;
	s14 =	smov.u32 s31  }
0x9c: {  	v3 =	vld.idx.msk [tilespmem:v6+s25+$0x0], $0xffff  }
0x9d: {  	v11 =	vld [tilespmem:s31+$0xFFFFFFE0]  }
0x9e: {  	v4 =	vld [tilespmem:s31+$0x20]  }
.Ltmp0:
0x9f: {  	v5 =	vld [tilespmem:s31+$0xFFFFFFD0];
	(pc) =	sbr.rel @p1 .LBB2_3-.Ltmp0, $3  }
0xa0: {  	v6 =	vld [tilespmem:s31+$0x0];
	_ =	sdelay $0x1  }
0xa1: {  	v8 =	vmul.f32 v8, v3;
	v10 =	vmul.f32 v7, v3  }
0xa2: {  	v9 =	vmul.f32 v9, v3;
	v7 =	vmul.f32 v11, v3  }
0xa3: {  	[tilespmem:s14+$0x30] =	vst v10  }
0xa4: {  	[tilespmem:s14+$0xFFFFFFC0] =	vst v8  }
0xa5: {  	v2 =	vmul.f32 v2, v3;
	[tilespmem:s14+$0x10] =	vst v9  }
0xa6: {  	v4 =	vmul.f32 v4, v3;
	p1 =	sne.s32 s0, $0x13A;
	[tilespmem:s14+$0xFFFFFFE0] =	vst v7  }
.Ltmp1:
0xa7: {  	v6 =	vmul.f32 v6, v3;
	[tilespmem:s14+$0xFFFFFFF0] =	vst v2;
	(pc) =	sbr.rel @p1 .LBB2_2-.Ltmp1, $4  }
0xa8: {  	v2 =	vmul.f32 v5, v3;
	[tilespmem:s14+$0x20] =	vst v4  }
0xa9: {  	s3 =	sshll.u32 s29, $0xD;
	[tilespmem:s14+$0x0] =	vst v6  }
0xaa: {  	s31 =	sadd.s32 $0x3, s29;
	p0 =	por !p0, !p0;
	s3 =	sadd.s32 $0xF080, s3;
	[tilespmem:s14+$0xFFFFFFD0] =	vst v2  }
0xab: {  	[spmem:s2] =	stream.indirect.scatter.add.f32 [tilespmem:s3], [sflag:s31], $0x80, s30, s20, $0xb8;
	[tilespmem:$0x1F980] =	vst v63  }
0xac: {  	_ =	swait.ge [sflag:s24], $0x2000  }
0xad: {  	[sflag:s24] =	ssyncset.done $0x0  }
0xae: {  	[sflag:s24] =	ssyncadd.s32 $0xFFFFE000  }
0xaf: {  	_ =	swait.ge [sflag:s26], $0x2000  }
0xb0: {  	[sflag:s26] =	ssyncset.done $0x0  }
0xb1: {  	[sflag:s26] =	ssyncadd.s32 $0xFFFFE000  }
0xb2: {  	[hbm4b:s21+s4] =	stream.linear.scatter [tilespmem:s17], [sflag:$0x5], $0x2800, $0x38;
	[tilespmem:$0x1F980] =	vst v63  }
0xb3: {  	_ =	swait.ge [sflag:s12], $0x2800  }
0xb4: {  	s28 =	sadd.s32 $0x1, s28;
	[sflag:s12] =	ssyncset.done $0x0  }
0xb5: {  	p0 =	sne.s32 s28, s11;
	[sflag:s12] =	ssyncadd.s32 $0xFFFFD800  }
.Ltmp2:
0xb6: {  	[bflag:$0x0] =	sbarrier.arrive $0xFFFF;
	(pc) =	sbr.rel @p0 .LBB2_1-.Ltmp2, $4  }
0xb7: {  	[hbm:s23], [sflag:s18] =	dma.local [spmem:s19], $0x1400  }
0xb8: {  	_ =	swait.ge [sflag:s12], $0x1400  }
0xb9: {  	[sflag:s12] =	ssyncset.done $0x0  }
0xba: {  	[sflag:s12] =	ssyncadd.s32 $0xFFFFEC00  }
0xbb: {  	_ =	sfence.sel $0x180000  }
0xbc: {  	[bflag:$0x0] =	sbarrier.arrive $0xFFFF  }
0xbd: {  	_ =	strace $0x90000047  }
0xbe: {  	s0 =	stileid.u32;
	[bflag:$0x2] =	sbarrier.arrive $0xFFFF  }
0xbf: {  	p0 =	sne.s32 s0, $0x0;
	s0 =	rddreg [dreg:$0x3]  }
0xc0: {  	s0 =	sadd.s32 @!p0 $0x100000, s0  }
0xc1: {  	[sflag:s0] =	ssyncadd.tile.s32 @!p0 $0x1;
	_ =	shalt  }
.Lfunc_end2:
_tile_overlayer_lowered:
.L_overlay_start_2:
0xc2: {  	(tag) =	ssettag $0x2  }
0xc3: {  	s0 =	rddreg [dreg:$0x0];
	s2 =	stileid.u32  }
0xc4: {  	s1 =	rddreg [dreg:$0x1];
	p0 =	sne.s32 s2, $0x0  }
0xc5: {  	s3 =	rddreg [dreg:$0x2];
	[bflag:$0x3] =	sbarrier.arrive $0xFFFF;
	s2 =	simm.s32 @!p0 $0x1C05  }
0xc6: {  	[timem:s3], [sflag:s2] =	dma.local @!p0 [hbm:s0], s1  }
0xc7: {  	s0 =	simm.s32 @!p0 $0x5  }
0xc8: {  	_ =	swait.ge @!p0 [sflag:s0], s1  }
0xc9: {  	s1 =	ssub.s32 @!p0 $0x0, s1;
	[sflag:s0] =	ssyncset.done @!p0 $0x0  }
0xca: {  	[sflag:s0] =	ssyncadd.s32 @!p0 s1  }
0xcb: {  	[bflag:$0x3] =	sbarrier.arrive $0xFFFF  }
0xcc: {  	_ =	shalt  }

</sc_bundles>
